<compile_context>
chip_gen: v7x
topology: tpu7x:2x2x1
jax: 0.10.2.dev20260603
libtpu: 0.0.44.dev20260713+nightly
codegen_flags: <defaults>
</compile_context>

<pallas_src>
import functools

import jax
import jax.numpy as jnp
from jax import lax
from jax.experimental import pallas as pl
from jax.experimental.pallas import tpu as pltpu
from jax.experimental.pallas import tpu_sc as plsc

_VOCAB = 1000
_LSE_PAD = 1008
_NC = 2
_NS = 16
_NW = _NC * _NS
_L = 16
_SEQ = 50
_SEQP = 56
_PITCH = 56
_CH = 16


def _lse_body(table_ref, out_ref):
    x = table_ref[...]
    m = jnp.max(x, axis=1)
    s = jnp.sum(jnp.exp(x - m[:, None]), axis=1)
    out_ref[...] = m + jnp.log(s)


def _compute_lse(table):
    return pl.pallas_call(
        _lse_body,
        out_shape=jax.ShapeDtypeStruct((table.shape[0],), jnp.float32),
    )(table)


def _sc_body(table_hbm, tflat_hbm, idx_hbm, tgt_hbm, lse_hbm,
             rows_hbm, part_hbm,
             rows_v, idx_v, tgt_v, fidx_v, picks_v, lse_v, acc_v, table_sp,
             g0, g1, s0, s1, psem):
    wid = lax.axis_index("s") * _NC + lax.axis_index("c")
    batw = (rows_hbm.shape[0] // _SEQP) // _NW
    npick = batw * _PITCH
    ib0 = wid * npick
    rb0 = wid * batw * _SEQP
    ncht = batw * _SEQP // _CH

    @pl.when(lax.axis_index("s") == 0)
    def _():
        pltpu.sync_copy(table_hbm, table_sp)

    pltpu.sync_copy(idx_hbm.at[pl.ds(ib0, npick)], idx_v.at[pl.ds(0, npick)])
    pltpu.sync_copy(tgt_hbm.at[pl.ds(ib0, npick)], tgt_v)
    pltpu.sync_copy(lse_hbm, lse_v)
    acc_v[...] = jnp.zeros((_L,), jnp.float32)
    plsc.subcore_barrier()

    def build(i, carry):
        off = i * _L
        fidx_v[pl.ds(off, _L)] = (
            idx_v[pl.ds(off, _L)] * 1024 + tgt_v[pl.ds(off, _L)])
        return carry

    lax.fori_loop(0, npick // _L, build, None)

    def pick_desc(k):
        return pltpu.make_async_copy(
            tflat_hbm.at[fidx_v.at[pl.ds(k * 128, 128)]],
            picks_v.at[pl.ds(k * 128, 128)], psem)

    nk = npick // 128
    for k in range(nk):
        pick_desc(k).start()

    gsems = (g0, g1)
    ssems = (s0, s1)

    def gather_desc(c, b):
        return pltpu.make_async_copy(
            table_sp.at[idx_v.at[pl.ds(c * _CH, _CH)]],
            rows_v.at[b], gsems[b])

    def scatter_desc(c, b):
        return pltpu.make_async_copy(
            rows_v.at[b], rows_hbm.at[pl.ds(rb0 + c * _CH, _CH)], ssems[b])

    gather_desc(0, 0).start()
    gather_desc(1, 1).start()

    def outer(t, carry):
        for b in range(2):
            c = t * 2 + b
            gather_desc(c, b).wait()
            scatter_desc(c, b).start()

            @pl.when(c + 2 < ncht)
            def _():
                scatter_desc(c, b).wait()
                gather_desc(c + 2, b).start()
        return carry

    lax.fori_loop(0, ncht // 2, outer, None)

    for k in range(nk):
        pick_desc(k).wait()

    tail_m = lax.iota(jnp.int32, _L) < (_SEQ - 3 * _L)

    def accum(r, carry):
        for g in range((_SEQ + _L - 1) // _L):
            off = r * _PITCH + g * _L
            valid = min(_L, _SEQ - g * _L)
            if valid <= 0:
                continue
            idxg = idx_v[pl.ds(off, _L)]
            picked = picks_v[pl.ds(off, _L)]
            if valid == _L:
                lsev = plsc.load_gather(lse_v, [idxg])
                acc_v[...] = acc_v[...] + (lsev - picked)
            else:
                lsev = plsc.load_gather(lse_v, [idxg], mask=tail_m)
                acc_v[...] = acc_v[...] + jnp.where(
                    tail_m, lsev - picked, jnp.zeros((_L,), jnp.float32))
        return carry

    lax.fori_loop(0, batw, accum, None)

    scatter_desc(ncht - 2, 0).wait()
    scatter_desc(ncht - 1, 1).wait()
    pltpu.sync_copy(acc_v, part_hbm.at[pl.ds(wid * _L, _L)])


def _sc_gather_loss(table, tflat, idx_p, tgt_p, lse_p, nbatch):
    batw = nbatch // _NW
    call = pl.kernel(
        _sc_body,
        out_type=[
            jax.ShapeDtypeStruct((nbatch * _SEQP, _VOCAB), jnp.float32),
            jax.ShapeDtypeStruct((_NW * _L,), jnp.float32),
        ],
        mesh=plsc.VectorSubcoreMesh(core_axis_name="c", subcore_axis_name="s"),
        compiler_params=pltpu.CompilerParams(
            use_tc_tiling_on_sc=False, needs_layout_passes=False),
        scratch_types=[
            pltpu.VMEM((2, _CH, _VOCAB), jnp.float32),
            pltpu.VMEM((batw * _PITCH + _L,), jnp.int32),
            pltpu.VMEM((batw * _PITCH,), jnp.int32),
            pltpu.VMEM((batw * _PITCH,), jnp.int32),
            pltpu.VMEM((batw * _PITCH + _L,), jnp.float32),
            pltpu.VMEM((_LSE_PAD,), jnp.float32),
            pltpu.VMEM((_L,), jnp.float32),
            pltpu.VMEM_SHARED((_VOCAB, _VOCAB), jnp.float32),
            pltpu.SemaphoreType.DMA,
            pltpu.SemaphoreType.DMA,
            pltpu.SemaphoreType.DMA,
            pltpu.SemaphoreType.DMA,
            pltpu.SemaphoreType.DMA,
        ],
    )
    return call(table, tflat, idx_p, tgt_p, lse_p)


def kernel(idx, targets, table):
    nbat, seq = idx.shape
    lse = _compute_lse(table)
    lse_p = jnp.pad(lse, (0, _LSE_PAD - _VOCAB))
    idx_p = jnp.pad(idx, ((0, 0), (0, _PITCH - _SEQ))).reshape(-1)
    tgt_p = jnp.pad(targets, ((0, 0), (0, _PITCH - _SEQ))).reshape(-1)
    tflat = jnp.pad(table, ((0, 0), (0, 1024 - _VOCAB))).reshape(-1)
    rows, partials = _sc_gather_loss(table, tflat, idx_p, tgt_p, lse_p, nbat)
    logits = rows.reshape(nbat, _SEQP, _VOCAB)[:, :_SEQ, :]
    loss = jnp.sum(partials) / jnp.float32(nbat * seq)
    return logits, loss

# --- scband reference (transcript-rebuilt; emitter-appended) ---
"""Pipeline reference for scband-bigram-language-model-78881369358387 (READ-ONLY COPY).

The authoritative reference and input builder live on the scoring server;
editing this copy changes nothing except your own understanding.
"""

import jax, jax.numpy as jnp
import numpy as np

VOCAB = 1000
B, L = 1024, 50

def setup_inputs(seed: int = 0) -> dict:
    key = jax.random.key(seed)
    k1, k2, k3 = jax.random.split(key, 3)
    idx = jax.random.randint(k1, (B, L), 0, VOCAB, dtype=jnp.int32)
    targets = jax.random.randint(k2, (B, L), 0, VOCAB, dtype=jnp.int32)
    # Keras Embedding default init: uniform(-0.05, 0.05)
    table = jax.random.uniform(k3, (VOCAB, VOCAB), dtype=jnp.float32, minval=-0.05, maxval=0.05)
    return {"idx": idx, "targets": targets, "table": table}

def reference(idx, targets, table):
    # logits = token_embedding_table(idx): gather rows of [vocab, vocab] table
    logits = jnp.take(table, idx, axis=0)  # [B, L, VOCAB]
    # SparseCategoricalCrossentropy(from_logits=True), mean reduction over all tokens
    logp = jax.nn.log_softmax(logits, axis=-1)
    nll = -jnp.take_along_axis(logp, targets[..., None], axis=-1).squeeze(-1)  # [B, L]
    loss = jnp.mean(nll)
    return (logits, loss)

if __name__ == "__main__":
    import jax
    _d = setup_inputs()
    print(jax.jit(kernel)(*tuple(_d.values())))

</pallas_src>

<mosaic_0001>
#map = affine_map<(d0, d1) -> (0, 0)>
#map1 = affine_map<(d0, d1) -> (0)>
module attributes {stable_mosaic.version = 14 : i64} {
  func.func @_sc_body(%arg0: i32, %arg1: i32, %arg2: memref<1000x1000xf32, #tpu.memory_space<hbm>>, %arg3: memref<1024000xf32, #tpu.memory_space<hbm>>, %arg4: memref<57344xi32, #tpu.memory_space<hbm>>, %arg5: memref<57344xi32, #tpu.memory_space<hbm>>, %arg6: memref<1008xf32, #tpu.memory_space<hbm>>, %arg7: memref<57344x1000xf32, #tpu.memory_space<hbm>>, %arg8: memref<512xf32, #tpu.memory_space<hbm>>, %arg9: memref<2x16x1000xf32, #tpu.memory_space<vmem>>, %arg10: memref<1808xi32, #tpu.memory_space<vmem>>, %arg11: memref<1792xi32, #tpu.memory_space<vmem>>, %arg12: memref<1792xi32, #tpu.memory_space<vmem>>, %arg13: memref<1808xf32, #tpu.memory_space<vmem>>, %arg14: memref<1008xf32, #tpu.memory_space<vmem>>, %arg15: memref<16xf32, #tpu.memory_space<vmem>>, %arg16: memref<1000x1000xf32, #tpu.memory_space<vmem_shared>>, %arg17: memref<!tpu.dma_semaphore, #tpu.memory_space<semaphore_mem>>, %arg18: memref<!tpu.dma_semaphore, #tpu.memory_space<semaphore_mem>>, %arg19: memref<!tpu.dma_semaphore, #tpu.memory_space<semaphore_mem>>, %arg20: memref<!tpu.dma_semaphore, #tpu.memory_space<semaphore_mem>>, %arg21: memref<!tpu.dma_semaphore, #tpu.memory_space<semaphore_mem>>) attributes {dimension_semantics = [#tpu.dimension_semantics<core_parallel>, #tpu.dimension_semantics<subcore_parallel>], iteration_bounds = array<i64: 2, 16>, scalar_prefetch = 0 : i64, scratch_operands = 13 : i64, tpu.core_type = #tpu.core_type<sc_vector_subcore>, window_params = [{transform_indices = #map}, {transform_indices = #map1}, {transform_indices = #map1}, {transform_indices = #map1}, {transform_indices = #map1}, {transform_indices = #map}, {transform_indices = #map1}]} {
    %mul3A = arith.constant 2 : i32
    %mul3A_0 = arith.muli %arg1, %mul3A : i32
    %add3A = arith.addi %mul3A_0, %arg0 : i32
    %mul3A_1 = arith.constant 1792 : i32
    %mul3A_2 = arith.muli %add3A, %mul3A_1 : i32
    %mul3A_3 = arith.constant 32 : i32
    %mul3A_4 = arith.muli %add3A, %mul3A_3 : i32
    %mul3A_5 = arith.constant 56 : i32
    %mul3A_6 = arith.muli %mul3A_4, %mul3A_5 : i32
    %eq3A = arith.constant 0 : i32
    %eq3A_7 = arith.cmpi eq, %arg1, %eq3A : i32
    %convert_element_type3A = arith.extui %eq3A_7 : i1 to i32
    %cond3A = arith.constant 0 : i32
    %cond3A_8 = arith.cmpi ne, %convert_element_type3A, %cond3A : i32
    scf.if %cond3A_8 {
      "tpu.region"() ({
        %run_scoped3A = tpu.sem_alloc : memref<!tpu.dma_semaphore, #tpu.memory_space<semaphore_mem>>
        tpu.enqueue_dma source(%arg2 : memref<1000x1000xf32, #tpu.memory_space<hbm>>) target(%arg16 : memref<1000x1000xf32, #tpu.memory_space<vmem_shared>>) target_semaphore(%run_scoped3A : memref<!tpu.dma_semaphore, #tpu.memory_space<semaphore_mem>>)
        tpu.wait_dma2 semaphore(%run_scoped3A : memref<!tpu.dma_semaphore, #tpu.memory_space<semaphore_mem>>) src(%arg2 : memref<1000x1000xf32, #tpu.memory_space<hbm>>) dst(%arg16 : memref<1000x1000xf32, #tpu.memory_space<vmem_shared>>)
        tpu.yield
      }) : () -> ()
    } else {
    }
    "tpu.region"() ({
      %run_scoped3A = tpu.sem_alloc : memref<!tpu.dma_semaphore, #tpu.memory_space<semaphore_mem>>
      %dma_start3A_245 = arith.constant 0 : i32
      %dma_start3A_246 = tpu.memref_slice %arg10[%dma_start3A_245] : memref<1808xi32, #tpu.memory_space<vmem>> -> memref<1792xi32, #tpu.memory_space<vmem>>
      %dma_start3A_247 = tpu.memref_slice %arg4[%mul3A_2] : memref<57344xi32, #tpu.memory_space<hbm>> -> memref<1792xi32, #tpu.memory_space<hbm>>
      %dma_start3A_248 = arith.constant 0 : i32
      %dma_start3A_249 = tpu.memref_slice %arg10[%dma_start3A_248] : memref<1808xi32, #tpu.memory_space<vmem>> -> memref<1792xi32, #tpu.memory_space<vmem>>
      %dma_start3A_250 = tpu.memref_slice %arg4[%mul3A_2] : memref<57344xi32, #tpu.memory_space<hbm>> -> memref<1792xi32, #tpu.memory_space<hbm>>
      tpu.enqueue_dma source(%dma_start3A_250 : memref<1792xi32, #tpu.memory_space<hbm>>) target(%dma_start3A_249 : memref<1792xi32, #tpu.memory_space<vmem>>) target_semaphore(%run_scoped3A : memref<!tpu.dma_semaphore, #tpu.memory_space<semaphore_mem>>)
      %dma_wait3A_251 = arith.constant 0 : i32
      %dma_wait3A_252 = tpu.memref_slice %arg10[%dma_wait3A_251] : memref<1808xi32, #tpu.memory_space<vmem>> -> memref<1792xi32, #tpu.memory_space<vmem>>
      %dma_wait3A_253 = tpu.memref_slice %arg4[%mul3A_2] : memref<57344xi32, #tpu.memory_space<hbm>> -> memref<1792xi32, #tpu.memory_space<hbm>>
      %dma_wait3A_254 = arith.constant 0 : i32
      %dma_wait3A_255 = tpu.memref_slice %arg10[%dma_wait3A_254] : memref<1808xi32, #tpu.memory_space<vmem>> -> memref<1792xi32, #tpu.memory_space<vmem>>
      %dma_wait3A_256 = tpu.memref_slice %arg4[%mul3A_2] : memref<57344xi32, #tpu.memory_space<hbm>> -> memref<1792xi32, #tpu.memory_space<hbm>>
      tpu.wait_dma2 semaphore(%run_scoped3A : memref<!tpu.dma_semaphore, #tpu.memory_space<semaphore_mem>>) src(%dma_wait3A_256 : memref<1792xi32, #tpu.memory_space<hbm>>) dst(%dma_wait3A_255 : memref<1792xi32, #tpu.memory_space<vmem>>)
      tpu.yield
    }) : () -> ()
    "tpu.region"() ({
      %run_scoped3A = tpu.sem_alloc : memref<!tpu.dma_semaphore, #tpu.memory_space<semaphore_mem>>
      %dma_start3A_245 = tpu.memref_slice %arg5[%mul3A_2] : memref<57344xi32, #tpu.memory_space<hbm>> -> memref<1792xi32, #tpu.memory_space<hbm>>
      %dma_start3A_246 = tpu.memref_slice %arg5[%mul3A_2] : memref<57344xi32, #tpu.memory_space<hbm>> -> memref<1792xi32, #tpu.memory_space<hbm>>
      tpu.enqueue_dma source(%dma_start3A_246 : memref<1792xi32, #tpu.memory_space<hbm>>) target(%arg11 : memref<1792xi32, #tpu.memory_space<vmem>>) target_semaphore(%run_scoped3A : memref<!tpu.dma_semaphore, #tpu.memory_space<semaphore_mem>>)
      %dma_wait3A_247 = tpu.memref_slice %arg5[%mul3A_2] : memref<57344xi32, #tpu.memory_space<hbm>> -> memref<1792xi32, #tpu.memory_space<hbm>>
      %dma_wait3A_248 = tpu.memref_slice %arg5[%mul3A_2] : memref<57344xi32, #tpu.memory_space<hbm>> -> memref<1792xi32, #tpu.memory_space<hbm>>
      tpu.wait_dma2 semaphore(%run_scoped3A : memref<!tpu.dma_semaphore, #tpu.memory_space<semaphore_mem>>) src(%dma_wait3A_248 : memref<1792xi32, #tpu.memory_space<hbm>>) dst(%arg11 : memref<1792xi32, #tpu.memory_space<vmem>>)
      tpu.yield
    }) : () -> ()
    "tpu.region"() ({
      %run_scoped3A = tpu.sem_alloc : memref<!tpu.dma_semaphore, #tpu.memory_space<semaphore_mem>>
      tpu.enqueue_dma source(%arg6 : memref<1008xf32, #tpu.memory_space<hbm>>) target(%arg14 : memref<1008xf32, #tpu.memory_space<vmem>>) target_semaphore(%run_scoped3A : memref<!tpu.dma_semaphore, #tpu.memory_space<semaphore_mem>>)
      tpu.wait_dma2 semaphore(%run_scoped3A : memref<!tpu.dma_semaphore, #tpu.memory_space<semaphore_mem>>) src(%arg6 : memref<1008xf32, #tpu.memory_space<hbm>>) dst(%arg14 : memref<1008xf32, #tpu.memory_space<vmem>>)
      tpu.yield
    }) : () -> ()
    %broadcast_in_dim3A = arith.constant 0.000000e+00 : f32
    %broadcast_in_dim3A_9 = vector.broadcast %broadcast_in_dim3A : f32 to vector<16xf32>
    %swap3A = arith.constant 0 : index
    %swap3A_10 = tpu.vector_load %arg15[%swap3A] {strides = array<i32>} : memref<16xf32, #tpu.memory_space<vmem>>, vector<16xf32>,
    tpu.vector_store %arg15[%swap3A], %broadcast_in_dim3A_9 {strides = array<i32>} : memref<16xf32, #tpu.memory_space<vmem>>, vector<16xf32>,
    %barrier3A = arith.constant 0 : index
    tpu.barrier barrier_id(%barrier3A)
    %scan3A = arith.constant 0 : i32
    %scan3A_11 = arith.constant 112 : i32
    %scan3A_12 = arith.addi %scan3A, %scan3A_11 : i32
    %scan3A_13 = arith.constant 1 : i32
    scf.for %scan3A_245 = %scan3A to %scan3A_12 step %scan3A_13  : i32 {
      %mul3A_246 = arith.constant 16 : i32
      %mul3A_247 = arith.muli %scan3A_245, %mul3A_246 : i32
      %get3A = arith.index_cast %mul3A_247 : i32 to index
      %get3A_248 = tpu.vector_load %arg10[%get3A] {strides = array<i32>} : memref<1808xi32, #tpu.memory_space<vmem>>, vector<16xi32>,
      %mul3A_249 = arith.constant 1024 : i32
      %mul3A_250 = vector.broadcast %mul3A_249 : i32 to vector<16xi32>
      %mul3A_251 = arith.muli %get3A_248, %mul3A_250 : vector<16xi32>
      %get3A_252 = arith.index_cast %mul3A_247 : i32 to index
      %get3A_253 = tpu.vector_load %arg11[%get3A_252] {strides = array<i32>} : memref<1792xi32, #tpu.memory_space<vmem>>, vector<16xi32>,
      %add3A_254 = arith.addi %mul3A_251, %get3A_253 : vector<16xi32>
      %swap3A_255 = arith.index_cast %mul3A_247 : i32 to index
      %swap3A_256 = tpu.vector_load %arg12[%swap3A_255] {strides = array<i32>} : memref<1792xi32, #tpu.memory_space<vmem>>, vector<16xi32>,
      tpu.vector_store %arg12[%swap3A_255], %add3A_254 {strides = array<i32>} : memref<1792xi32, #tpu.memory_space<vmem>>, vector<16xi32>,
    }
    %scan3A_14 = arith.constant 112 : i32
    %dma_start3A = arith.constant 0 : i32
    %dma_start3A_15 = tpu.memref_slice %arg13[%dma_start3A] : memref<1808xf32, #tpu.memory_space<vmem>> -> memref<128xf32, #tpu.memory_space<vmem>>
    %dma_start3A_16 = arith.constant 0 : i32
    %dma_start3A_17 = tpu.memref_slice %arg12[%dma_start3A_16] : memref<1792xi32, #tpu.memory_space<vmem>> -> memref<128xi32, #tpu.memory_space<vmem>>
    %dma_start3A_18 = arith.constant 0 : i32
    %dma_start3A_19 = tpu.memref_slice %arg3[%dma_start3A_18] : memref<1024000xf32, #tpu.memory_space<hbm>> -> memref<1024000xf32, #tpu.memory_space<hbm>>
    tpu.enqueue_indirect_dma source(%dma_start3A_19 : memref<1024000xf32, #tpu.memory_space<hbm>>) target(%dma_start3A_15 : memref<128xf32, #tpu.memory_space<vmem>>) offsets(%dma_start3A_17 : memref<128xi32, #tpu.memory_space<vmem>>) semaphore(%arg21 : memref<!tpu.dma_semaphore, #tpu.memory_space<semaphore_mem>>)
    %dma_start3A_20 = arith.constant 128 : i32
    %dma_start3A_21 = tpu.memref_slice %arg13[%dma_start3A_20] : memref<1808xf32, #tpu.memory_space<vmem>> -> memref<128xf32, #tpu.memory_space<vmem>>
    %dma_start3A_22 = arith.constant 128 : i32
    %dma_start3A_23 = tpu.memref_slice %arg12[%dma_start3A_22] : memref<1792xi32, #tpu.memory_space<vmem>> -> memref<128xi32, #tpu.memory_space<vmem>>
    %dma_start3A_24 = arith.constant 0 : i32
    %dma_start3A_25 = tpu.memref_slice %arg3[%dma_start3A_24] : memref<1024000xf32, #tpu.memory_space<hbm>> -> memref<1024000xf32, #tpu.memory_space<hbm>>
    tpu.enqueue_indirect_dma source(%dma_start3A_25 : memref<1024000xf32, #tpu.memory_space<hbm>>) target(%dma_start3A_21 : memref<128xf32, #tpu.memory_space<vmem>>) offsets(%dma_start3A_23 : memref<128xi32, #tpu.memory_space<vmem>>) semaphore(%arg21 : memref<!tpu.dma_semaphore, #tpu.memory_space<semaphore_mem>>)
    %dma_start3A_26 = arith.constant 256 : i32
    %dma_start3A_27 = tpu.memref_slice %arg13[%dma_start3A_26] : memref<1808xf32, #tpu.memory_space<vmem>> -> memref<128xf32, #tpu.memory_space<vmem>>
    %dma_start3A_28 = arith.constant 256 : i32
    %dma_start3A_29 = tpu.memref_slice %arg12[%dma_start3A_28] : memref<1792xi32, #tpu.memory_space<vmem>> -> memref<128xi32, #tpu.memory_space<vmem>>
    %dma_start3A_30 = arith.constant 0 : i32
    %dma_start3A_31 = tpu.memref_slice %arg3[%dma_start3A_30] : memref<1024000xf32, #tpu.memory_space<hbm>> -> memref<1024000xf32, #tpu.memory_space<hbm>>
    tpu.enqueue_indirect_dma source(%dma_start3A_31 : memref<1024000xf32, #tpu.memory_space<hbm>>) target(%dma_start3A_27 : memref<128xf32, #tpu.memory_space<vmem>>) offsets(%dma_start3A_29 : memref<128xi32, #tpu.memory_space<vmem>>) semaphore(%arg21 : memref<!tpu.dma_semaphore, #tpu.memory_space<semaphore_mem>>)
    %dma_start3A_32 = arith.constant 384 : i32
    %dma_start3A_33 = tpu.memref_slice %arg13[%dma_start3A_32] : memref<1808xf32, #tpu.memory_space<vmem>> -> memref<128xf32, #tpu.memory_space<vmem>>
    %dma_start3A_34 = arith.constant 384 : i32
    %dma_start3A_35 = tpu.memref_slice %arg12[%dma_start3A_34] : memref<1792xi32, #tpu.memory_space<vmem>> -> memref<128xi32, #tpu.memory_space<vmem>>
    %dma_start3A_36 = arith.constant 0 : i32
    %dma_start3A_37 = tpu.memref_slice %arg3[%dma_start3A_36] : memref<1024000xf32, #tpu.memory_space<hbm>> -> memref<1024000xf32, #tpu.memory_space<hbm>>
    tpu.enqueue_indirect_dma source(%dma_start3A_37 : memref<1024000xf32, #tpu.memory_space<hbm>>) target(%dma_start3A_33 : memref<128xf32, #tpu.memory_space<vmem>>) offsets(%dma_start3A_35 : memref<128xi32, #tpu.memory_space<vmem>>) semaphore(%arg21 : memref<!tpu.dma_semaphore, #tpu.memory_space<semaphore_mem>>)
    %dma_start3A_38 = arith.constant 512 : i32
    %dma_start3A_39 = tpu.memref_slice %arg13[%dma_start3A_38] : memref<1808xf32, #tpu.memory_space<vmem>> -> memref<128xf32, #tpu.memory_space<vmem>>
    %dma_start3A_40 = arith.constant 512 : i32
    %dma_start3A_41 = tpu.memref_slice %arg12[%dma_start3A_40] : memref<1792xi32, #tpu.memory_space<vmem>> -> memref<128xi32, #tpu.memory_space<vmem>>
    %dma_start3A_42 = arith.constant 0 : i32
    %dma_start3A_43 = tpu.memref_slice %arg3[%dma_start3A_42] : memref<1024000xf32, #tpu.memory_space<hbm>> -> memref<1024000xf32, #tpu.memory_space<hbm>>
    tpu.enqueue_indirect_dma source(%dma_start3A_43 : memref<1024000xf32, #tpu.memory_space<hbm>>) target(%dma_start3A_39 : memref<128xf32, #tpu.memory_space<vmem>>) offsets(%dma_start3A_41 : memref<128xi32, #tpu.memory_space<vmem>>) semaphore(%arg21 : memref<!tpu.dma_semaphore, #tpu.memory_space<semaphore_mem>>)
    %dma_start3A_44 = arith.constant 640 : i32
    %dma_start3A_45 = tpu.memref_slice %arg13[%dma_start3A_44] : memref<1808xf32, #tpu.memory_space<vmem>> -> memref<128xf32, #tpu.memory_space<vmem>>
    %dma_start3A_46 = arith.constant 640 : i32
    %dma_start3A_47 = tpu.memref_slice %arg12[%dma_start3A_46] : memref<1792xi32, #tpu.memory_space<vmem>> -> memref<128xi32, #tpu.memory_space<vmem>>
    %dma_start3A_48 = arith.constant 0 : i32
    %dma_start3A_49 = tpu.memref_slice %arg3[%dma_start3A_48] : memref<1024000xf32, #tpu.memory_space<hbm>> -> memref<1024000xf32, #tpu.memory_space<hbm>>
    tpu.enqueue_indirect_dma source(%dma_start3A_49 : memref<1024000xf32, #tpu.memory_space<hbm>>) target(%dma_start3A_45 : memref<128xf32, #tpu.memory_space<vmem>>) offsets(%dma_start3A_47 : memref<128xi32, #tpu.memory_space<vmem>>) semaphore(%arg21 : memref<!tpu.dma_semaphore, #tpu.memory_space<semaphore_mem>>)
    %dma_start3A_50 = arith.constant 768 : i32
    %dma_start3A_51 = tpu.memref_slice %arg13[%dma_start3A_50] : memref<1808xf32, #tpu.memory_space<vmem>> -> memref<128xf32, #tpu.memory_space<vmem>>
    %dma_start3A_52 = arith.constant 768 : i32
    %dma_start3A_53 = tpu.memref_slice %arg12[%dma_start3A_52] : memref<1792xi32, #tpu.memory_space<vmem>> -> memref<128xi32, #tpu.memory_space<vmem>>
    %dma_start3A_54 = arith.constant 0 : i32
    %dma_start3A_55 = tpu.memref_slice %arg3[%dma_start3A_54] : memref<1024000xf32, #tpu.memory_space<hbm>> -> memref<1024000xf32, #tpu.memory_space<hbm>>
    tpu.enqueue_indirect_dma source(%dma_start3A_55 : memref<1024000xf32, #tpu.memory_space<hbm>>) target(%dma_start3A_51 : memref<128xf32, #tpu.memory_space<vmem>>) offsets(%dma_start3A_53 : memref<128xi32, #tpu.memory_space<vmem>>) semaphore(%arg21 : memref<!tpu.dma_semaphore, #tpu.memory_space<semaphore_mem>>)
    %dma_start3A_56 = arith.constant 896 : i32
    %dma_start3A_57 = tpu.memref_slice %arg13[%dma_start3A_56] : memref<1808xf32, #tpu.memory_space<vmem>> -> memref<128xf32, #tpu.memory_space<vmem>>
    %dma_start3A_58 = arith.constant 896 : i32
    %dma_start3A_59 = tpu.memref_slice %arg12[%dma_start3A_58] : memref<1792xi32, #tpu.memory_space<vmem>> -> memref<128xi32, #tpu.memory_space<vmem>>
    %dma_start3A_60 = arith.constant 0 : i32
    %dma_start3A_61 = tpu.memref_slice %arg3[%dma_start3A_60] : memref<1024000xf32, #tpu.memory_space<hbm>> -> memref<1024000xf32, #tpu.memory_space<hbm>>
    tpu.enqueue_indirect_dma source(%dma_start3A_61 : memref<1024000xf32, #tpu.memory_space<hbm>>) target(%dma_start3A_57 : memref<128xf32, #tpu.memory_space<vmem>>) offsets(%dma_start3A_59 : memref<128xi32, #tpu.memory_space<vmem>>) semaphore(%arg21 : memref<!tpu.dma_semaphore, #tpu.memory_space<semaphore_mem>>)
    %dma_start3A_62 = arith.constant 1024 : i32
    %dma_start3A_63 = tpu.memref_slice %arg13[%dma_start3A_62] : memref<1808xf32, #tpu.memory_space<vmem>> -> memref<128xf32, #tpu.memory_space<vmem>>
    %dma_start3A_64 = arith.constant 1024 : i32
    %dma_start3A_65 = tpu.memref_slice %arg12[%dma_start3A_64] : memref<1792xi32, #tpu.memory_space<vmem>> -> memref<128xi32, #tpu.memory_space<vmem>>
    %dma_start3A_66 = arith.constant 0 : i32
    %dma_start3A_67 = tpu.memref_slice %arg3[%dma_start3A_66] : memref<1024000xf32, #tpu.memory_space<hbm>> -> memref<1024000xf32, #tpu.memory_space<hbm>>
    tpu.enqueue_indirect_dma source(%dma_start3A_67 : memref<1024000xf32, #tpu.memory_space<hbm>>) target(%dma_start3A_63 : memref<128xf32, #tpu.memory_space<vmem>>) offsets(%dma_start3A_65 : memref<128xi32, #tpu.memory_space<vmem>>) semaphore(%arg21 : memref<!tpu.dma_semaphore, #tpu.memory_space<semaphore_mem>>)
    %dma_start3A_68 = arith.constant 1152 : i32
    %dma_start3A_69 = tpu.memref_slice %arg13[%dma_start3A_68] : memref<1808xf32, #tpu.memory_space<vmem>> -> memref<128xf32, #tpu.memory_space<vmem>>
    %dma_start3A_70 = arith.constant 1152 : i32
    %dma_start3A_71 = tpu.memref_slice %arg12[%dma_start3A_70] : memref<1792xi32, #tpu.memory_space<vmem>> -> memref<128xi32, #tpu.memory_space<vmem>>
    %dma_start3A_72 = arith.constant 0 : i32
    %dma_start3A_73 = tpu.memref_slice %arg3[%dma_start3A_72] : memref<1024000xf32, #tpu.memory_space<hbm>> -> memref<1024000xf32, #tpu.memory_space<hbm>>
    tpu.enqueue_indirect_dma source(%dma_start3A_73 : memref<1024000xf32, #tpu.memory_space<hbm>>) target(%dma_start3A_69 : memref<128xf32, #tpu.memory_space<vmem>>) offsets(%dma_start3A_71 : memref<128xi32, #tpu.memory_space<vmem>>) semaphore(%arg21 : memref<!tpu.dma_semaphore, #tpu.memory_space<semaphore_mem>>)
    %dma_start3A_74 = arith.constant 1280 : i32
    %dma_start3A_75 = tpu.memref_slice %arg13[%dma_start3A_74] : memref<1808xf32, #tpu.memory_space<vmem>> -> memref<128xf32, #tpu.memory_space<vmem>>
    %dma_start3A_76 = arith.constant 1280 : i32
    %dma_start3A_77 = tpu.memref_slice %arg12[%dma_start3A_76] : memref<1792xi32, #tpu.memory_space<vmem>> -> memref<128xi32, #tpu.memory_space<vmem>>
    %dma_start3A_78 = arith.constant 0 : i32
    %dma_start3A_79 = tpu.memref_slice %arg3[%dma_start3A_78] : memref<1024000xf32, #tpu.memory_space<hbm>> -> memref<1024000xf32, #tpu.memory_space<hbm>>
    tpu.enqueue_indirect_dma source(%dma_start3A_79 : memref<1024000xf32, #tpu.memory_space<hbm>>) target(%dma_start3A_75 : memref<128xf32, #tpu.memory_space<vmem>>) offsets(%dma_start3A_77 : memref<128xi32, #tpu.memory_space<vmem>>) semaphore(%arg21 : memref<!tpu.dma_semaphore, #tpu.memory_space<semaphore_mem>>)
    %dma_start3A_80 = arith.constant 1408 : i32
    %dma_start3A_81 = tpu.memref_slice %arg13[%dma_start3A_80] : memref<1808xf32, #tpu.memory_space<vmem>> -> memref<128xf32, #tpu.memory_space<vmem>>
    %dma_start3A_82 = arith.constant 1408 : i32
    %dma_start3A_83 = tpu.memref_slice %arg12[%dma_start3A_82] : memref<1792xi32, #tpu.memory_space<vmem>> -> memref<128xi32, #tpu.memory_space<vmem>>
    %dma_start3A_84 = arith.constant 0 : i32
    %dma_start3A_85 = tpu.memref_slice %arg3[%dma_start3A_84] : memref<1024000xf32, #tpu.memory_space<hbm>> -> memref<1024000xf32, #tpu.memory_space<hbm>>
    tpu.enqueue_indirect_dma source(%dma_start3A_85 : memref<1024000xf32, #tpu.memory_space<hbm>>) target(%dma_start3A_81 : memref<128xf32, #tpu.memory_space<vmem>>) offsets(%dma_start3A_83 : memref<128xi32, #tpu.memory_space<vmem>>) semaphore(%arg21 : memref<!tpu.dma_semaphore, #tpu.memory_space<semaphore_mem>>)
    %dma_start3A_86 = arith.constant 1536 : i32
    %dma_start3A_87 = tpu.memref_slice %arg13[%dma_start3A_86] : memref<1808xf32, #tpu.memory_space<vmem>> -> memref<128xf32, #tpu.memory_space<vmem>>
    %dma_start3A_88 = arith.constant 1536 : i32
    %dma_start3A_89 = tpu.memref_slice %arg12[%dma_start3A_88] : memref<1792xi32, #tpu.memory_space<vmem>> -> memref<128xi32, #tpu.memory_space<vmem>>
    %dma_start3A_90 = arith.constant 0 : i32
    %dma_start3A_91 = tpu.memref_slice %arg3[%dma_start3A_90] : memref<1024000xf32, #tpu.memory_space<hbm>> -> memref<1024000xf32, #tpu.memory_space<hbm>>
    tpu.enqueue_indirect_dma source(%dma_start3A_91 : memref<1024000xf32, #tpu.memory_space<hbm>>) target(%dma_start3A_87 : memref<128xf32, #tpu.memory_space<vmem>>) offsets(%dma_start3A_89 : memref<128xi32, #tpu.memory_space<vmem>>) semaphore(%arg21 : memref<!tpu.dma_semaphore, #tpu.memory_space<semaphore_mem>>)
    %dma_start3A_92 = arith.constant 1664 : i32
    %dma_start3A_93 = tpu.memref_slice %arg13[%dma_start3A_92] : memref<1808xf32, #tpu.memory_space<vmem>> -> memref<128xf32, #tpu.memory_space<vmem>>
    %dma_start3A_94 = arith.constant 1664 : i32
    %dma_start3A_95 = tpu.memref_slice %arg12[%dma_start3A_94] : memref<1792xi32, #tpu.memory_space<vmem>> -> memref<128xi32, #tpu.memory_space<vmem>>
    %dma_start3A_96 = arith.constant 0 : i32
    %dma_start3A_97 = tpu.memref_slice %arg3[%dma_start3A_96] : memref<1024000xf32, #tpu.memory_space<hbm>> -> memref<1024000xf32, #tpu.memory_space<hbm>>
    tpu.enqueue_indirect_dma source(%dma_start3A_97 : memref<1024000xf32, #tpu.memory_space<hbm>>) target(%dma_start3A_93 : memref<128xf32, #tpu.memory_space<vmem>>) offsets(%dma_start3A_95 : memref<128xi32, #tpu.memory_space<vmem>>) semaphore(%arg21 : memref<!tpu.dma_semaphore, #tpu.memory_space<semaphore_mem>>)
    %dma_start3A_98 = arith.constant 0 : i32
    %dma_start3A_99 = arith.constant 0 : i32
    %dma_start3A_100 = arith.constant 0 : i32
    %dma_start3A_101 = tpu.memref_slice %arg9[%dma_start3A_98, %dma_start3A_99, %dma_start3A_100] : memref<2x16x1000xf32, #tpu.memory_space<vmem>> -> memref<1x16x1000xf32, #tpu.memory_space<vmem>>
    %dma_start3A_102 = tpu.memref_squeeze %dma_start3A_101 : memref<1x16x1000xf32, #tpu.memory_space<vmem>> -> memref<16x1000xf32, #tpu.memory_space<vmem>>
    %dma_start3A_103 = arith.constant 0 : i32
    %dma_start3A_104 = tpu.memref_slice %arg10[%dma_start3A_103] : memref<1808xi32, #tpu.memory_space<vmem>> -> memref<16xi32, #tpu.memory_space<vmem>>
    %dma_start3A_105 = arith.constant 0 : i32
    %dma_start3A_106 = arith.constant 0 : i32
    %dma_start3A_107 = tpu.memref_slice %arg16[%dma_start3A_105, %dma_start3A_106] : memref<1000x1000xf32, #tpu.memory_space<vmem_shared>> -> memref<1000x1000xf32, #tpu.memory_space<vmem_shared>>
    tpu.enqueue_indirect_dma source(%dma_start3A_107 : memref<1000x1000xf32, #tpu.memory_space<vmem_shared>>) target(%dma_start3A_102 : memref<16x1000xf32, #tpu.memory_space<vmem>>) offsets(%dma_start3A_104 : memref<16xi32, #tpu.memory_space<vmem>>) semaphore(%arg17 : memref<!tpu.dma_semaphore, #tpu.memory_space<semaphore_mem>>)
    %dma_start3A_108 = arith.constant 1 : i32
    %dma_start3A_109 = arith.constant 0 : i32
    %dma_start3A_110 = arith.constant 0 : i32
    %dma_start3A_111 = tpu.memref_slice %arg9[%dma_start3A_108, %dma_start3A_109, %dma_start3A_110] : memref<2x16x1000xf32, #tpu.memory_space<vmem>> -> memref<1x16x1000xf32, #tpu.memory_space<vmem>>
    %dma_start3A_112 = tpu.memref_squeeze %dma_start3A_111 : memref<1x16x1000xf32, #tpu.memory_space<vmem>> -> memref<16x1000xf32, #tpu.memory_space<vmem>>
    %dma_start3A_113 = arith.constant 16 : i32
    %dma_start3A_114 = tpu.memref_slice %arg10[%dma_start3A_113] : memref<1808xi32, #tpu.memory_space<vmem>> -> memref<16xi32, #tpu.memory_space<vmem>>
    %dma_start3A_115 = arith.constant 0 : i32
    %dma_start3A_116 = arith.constant 0 : i32
    %dma_start3A_117 = tpu.memref_slice %arg16[%dma_start3A_115, %dma_start3A_116] : memref<1000x1000xf32, #tpu.memory_space<vmem_shared>> -> memref<1000x1000xf32, #tpu.memory_space<vmem_shared>>
    tpu.enqueue_indirect_dma source(%dma_start3A_117 : memref<1000x1000xf32, #tpu.memory_space<vmem_shared>>) target(%dma_start3A_112 : memref<16x1000xf32, #tpu.memory_space<vmem>>) offsets(%dma_start3A_114 : memref<16xi32, #tpu.memory_space<vmem>>) semaphore(%arg18 : memref<!tpu.dma_semaphore, #tpu.memory_space<semaphore_mem>>)
    %scan3A_118 = arith.constant 0 : i32
    %scan3A_119 = arith.constant 56 : i32
    %scan3A_120 = arith.addi %scan3A_118, %scan3A_119 : i32
    %scan3A_121 = arith.constant 1 : i32
    scf.for %scan3A_245 = %scan3A_118 to %scan3A_120 step %scan3A_121  : i32 {
      %mul3A_246 = arith.constant 2 : i32
      %mul3A_247 = arith.muli %scan3A_245, %mul3A_246 : i32
      %add3A_248 = arith.constant 0 : i32
      %add3A_249 = arith.addi %mul3A_247, %add3A_248 : i32
      %mul3A_250 = arith.constant 16 : i32
      %mul3A_251 = arith.muli %add3A_249, %mul3A_250 : i32
      %dma_wait3A_252 = arith.constant 0 : i32
      %dma_wait3A_253 = arith.constant 0 : i32
      %dma_wait3A_254 = arith.constant 0 : i32
      %dma_wait3A_255 = tpu.memref_slice %arg9[%dma_wait3A_252, %dma_wait3A_253, %dma_wait3A_254] : memref<2x16x1000xf32, #tpu.memory_space<vmem>> -> memref<1x16x1000xf32, #tpu.memory_space<vmem>>
      %dma_wait3A_256 = tpu.memref_squeeze %dma_wait3A_255 : memref<1x16x1000xf32, #tpu.memory_space<vmem>> -> memref<16x1000xf32, #tpu.memory_space<vmem>>
      %dma_wait3A_257 = tpu.memref_slice %arg10[%mul3A_251] : memref<1808xi32, #tpu.memory_space<vmem>> -> memref<16xi32, #tpu.memory_space<vmem>>
      %dma_wait3A_258 = arith.constant 0 : i32
      %dma_wait3A_259 = arith.constant 0 : i32
      %dma_wait3A_260 = tpu.memref_slice %arg16[%dma_wait3A_258, %dma_wait3A_259] : memref<1000x1000xf32, #tpu.memory_space<vmem_shared>> -> memref<1000x1000xf32, #tpu.memory_space<vmem_shared>>
      tpu.wait_indirect_dma semaphore(%arg17 : memref<!tpu.dma_semaphore, #tpu.memory_space<semaphore_mem>>) src(%dma_wait3A_260 : memref<1000x1000xf32, #tpu.memory_space<vmem_shared>>) dst(%dma_wait3A_256 : memref<16x1000xf32, #tpu.memory_space<vmem>>)
      %mul3A_261 = arith.constant 16 : i32
      %mul3A_262 = arith.muli %add3A_249, %mul3A_261 : i32
      %add3A_263 = arith.addi %mul3A_6, %mul3A_262 : i32
      %dma_start3A_264 = arith.constant 0 : i32
      %dma_start3A_265 = arith.constant 0 : i32
      %dma_start3A_266 = arith.constant 0 : i32
      %dma_start3A_267 = tpu.memref_slice %arg9[%dma_start3A_264, %dma_start3A_265, %dma_start3A_266] : memref<2x16x1000xf32, #tpu.memory_space<vmem>> -> memref<1x16x1000xf32, #tpu.memory_space<vmem>>
      %dma_start3A_268 = tpu.memref_squeeze %dma_start3A_267 : memref<1x16x1000xf32, #tpu.memory_space<vmem>> -> memref<16x1000xf32, #tpu.memory_space<vmem>>
      %dma_start3A_269 = arith.constant 0 : i32
      %dma_start3A_270 = tpu.memref_slice %arg7[%add3A_263, %dma_start3A_269] : memref<57344x1000xf32, #tpu.memory_space<hbm>> -> memref<16x1000xf32, #tpu.memory_space<hbm>>
      %dma_start3A_271 = arith.constant 0 : i32
      %dma_start3A_272 = tpu.memref_slice %arg7[%add3A_263, %dma_start3A_271] : memref<57344x1000xf32, #tpu.memory_space<hbm>> -> memref<16x1000xf32, #tpu.memory_space<hbm>>
      %dma_start3A_273 = arith.constant 0 : i32
      %dma_start3A_274 = arith.constant 0 : i32
      %dma_start3A_275 = tpu.memref_slice %arg9[%dma_start3A_264, %dma_start3A_273, %dma_start3A_274] : memref<2x16x1000xf32, #tpu.memory_space<vmem>> -> memref<1x16x1000xf32, #tpu.memory_space<vmem>>
      %dma_start3A_276 = tpu.memref_squeeze %dma_start3A_275 : memref<1x16x1000xf32, #tpu.memory_space<vmem>> -> memref<16x1000xf32, #tpu.memory_space<vmem>>
      tpu.enqueue_dma source(%dma_start3A_276 : memref<16x1000xf32, #tpu.memory_space<vmem>>) target(%dma_start3A_272 : memref<16x1000xf32, #tpu.memory_space<hbm>>) target_semaphore(%arg19 : memref<!tpu.dma_semaphore, #tpu.memory_space<semaphore_mem>>)
      %add3A_277 = arith.constant 2 : i32
      %add3A_278 = arith.addi %add3A_249, %add3A_277 : i32
      %lt3A_279 = arith.constant 112 : i32
      %lt3A_280 = arith.cmpi slt, %add3A_278, %lt3A_279 : i32
      %convert_element_type3A_281 = arith.extui %lt3A_280 : i1 to i32
      %cond3A_282 = arith.constant 0 : i32
      %cond3A_283 = arith.cmpi ne, %convert_element_type3A_281, %cond3A_282 : i32
      scf.if %cond3A_283 {
        %mul3A_322 = arith.constant 16 : i32
        %mul3A_323 = arith.muli %add3A_249, %mul3A_322 : i32
        %add3A_324 = arith.addi %mul3A_6, %mul3A_323 : i32
        %dma_wait3A_325 = arith.constant 0 : i32
        %dma_wait3A_326 = arith.constant 0 : i32
        %dma_wait3A_327 = arith.constant 0 : i32
        %dma_wait3A_328 = tpu.memref_slice %arg9[%dma_wait3A_325, %dma_wait3A_326, %dma_wait3A_327] : memref<2x16x1000xf32, #tpu.memory_space<vmem>> -> memref<1x16x1000xf32, #tpu.memory_space<vmem>>
        %dma_wait3A_329 = tpu.memref_squeeze %dma_wait3A_328 : memref<1x16x1000xf32, #tpu.memory_space<vmem>> -> memref<16x1000xf32, #tpu.memory_space<vmem>>
        %dma_wait3A_330 = arith.constant 0 : i32
        %dma_wait3A_331 = tpu.memref_slice %arg7[%add3A_324, %dma_wait3A_330] : memref<57344x1000xf32, #tpu.memory_space<hbm>> -> memref<16x1000xf32, #tpu.memory_space<hbm>>
        %dma_wait3A_332 = arith.constant 0 : i32
        %dma_wait3A_333 = tpu.memref_slice %arg7[%add3A_324, %dma_wait3A_332] : memref<57344x1000xf32, #tpu.memory_space<hbm>> -> memref<16x1000xf32, #tpu.memory_space<hbm>>
        %dma_wait3A_334 = arith.constant 0 : i32
        %dma_wait3A_335 = arith.constant 0 : i32
        %dma_wait3A_336 = tpu.memref_slice %arg9[%dma_wait3A_325, %dma_wait3A_334, %dma_wait3A_335] : memref<2x16x1000xf32, #tpu.memory_space<vmem>> -> memref<1x16x1000xf32, #tpu.memory_space<vmem>>
        %dma_wait3A_337 = tpu.memref_squeeze %dma_wait3A_336 : memref<1x16x1000xf32, #tpu.memory_space<vmem>> -> memref<16x1000xf32, #tpu.memory_space<vmem>>
        tpu.wait_dma2 semaphore(%arg19 : memref<!tpu.dma_semaphore, #tpu.memory_space<semaphore_mem>>) src(%dma_wait3A_337 : memref<16x1000xf32, #tpu.memory_space<vmem>>) dst(%dma_wait3A_333 : memref<16x1000xf32, #tpu.memory_space<hbm>>)
        %add3A_338 = arith.constant 2 : i32
        %add3A_339 = arith.addi %add3A_249, %add3A_338 : i32
        %mul3A_340 = arith.constant 16 : i32
        %mul3A_341 = arith.muli %add3A_339, %mul3A_340 : i32
        %dma_start3A_342 = arith.constant 0 : i32
        %dma_start3A_343 = arith.constant 0 : i32
        %dma_start3A_344 = arith.constant 0 : i32
        %dma_start3A_345 = tpu.memref_slice %arg9[%dma_start3A_342, %dma_start3A_343, %dma_start3A_344] : memref<2x16x1000xf32, #tpu.memory_space<vmem>> -> memref<1x16x1000xf32, #tpu.memory_space<vmem>>
        %dma_start3A_346 = tpu.memref_squeeze %dma_start3A_345 : memref<1x16x1000xf32, #tpu.memory_space<vmem>> -> memref<16x1000xf32, #tpu.memory_space<vmem>>
        %dma_start3A_347 = tpu.memref_slice %arg10[%mul3A_341] : memref<1808xi32, #tpu.memory_space<vmem>> -> memref<16xi32, #tpu.memory_space<vmem>>
        %dma_start3A_348 = arith.constant 0 : i32
        %dma_start3A_349 = arith.constant 0 : i32
        %dma_start3A_350 = tpu.memref_slice %arg16[%dma_start3A_348, %dma_start3A_349] : memref<1000x1000xf32, #tpu.memory_space<vmem_shared>> -> memref<1000x1000xf32, #tpu.memory_space<vmem_shared>>
        tpu.enqueue_indirect_dma source(%dma_start3A_350 : memref<1000x1000xf32, #tpu.memory_space<vmem_shared>>) target(%dma_start3A_346 : memref<16x1000xf32, #tpu.memory_space<vmem>>) offsets(%dma_start3A_347 : memref<16xi32, #tpu.memory_space<vmem>>) semaphore(%arg17 : memref<!tpu.dma_semaphore, #tpu.memory_space<semaphore_mem>>)
      } else {
      }
      %mul3A_284 = arith.constant 2 : i32
      %mul3A_285 = arith.muli %scan3A_245, %mul3A_284 : i32
      %add3A_286 = arith.constant 1 : i32
      %add3A_287 = arith.addi %mul3A_285, %add3A_286 : i32
      %mul3A_288 = arith.constant 16 : i32
      %mul3A_289 = arith.muli %add3A_287, %mul3A_288 : i32
      %dma_wait3A_290 = arith.constant 1 : i32
      %dma_wait3A_291 = arith.constant 0 : i32
      %dma_wait3A_292 = arith.constant 0 : i32
      %dma_wait3A_293 = tpu.memref_slice %arg9[%dma_wait3A_290, %dma_wait3A_291, %dma_wait3A_292] : memref<2x16x1000xf32, #tpu.memory_space<vmem>> -> memref<1x16x1000xf32, #tpu.memory_space<vmem>>
      %dma_wait3A_294 = tpu.memref_squeeze %dma_wait3A_293 : memref<1x16x1000xf32, #tpu.memory_space<vmem>> -> memref<16x1000xf32, #tpu.memory_space<vmem>>
      %dma_wait3A_295 = tpu.memref_slice %arg10[%mul3A_289] : memref<1808xi32, #tpu.memory_space<vmem>> -> memref<16xi32, #tpu.memory_space<vmem>>
      %dma_wait3A_296 = arith.constant 0 : i32
      %dma_wait3A_297 = arith.constant 0 : i32
      %dma_wait3A_298 = tpu.memref_slice %arg16[%dma_wait3A_296, %dma_wait3A_297] : memref<1000x1000xf32, #tpu.memory_space<vmem_shared>> -> memref<1000x1000xf32, #tpu.memory_space<vmem_shared>>
      tpu.wait_indirect_dma semaphore(%arg18 : memref<!tpu.dma_semaphore, #tpu.memory_space<semaphore_mem>>) src(%dma_wait3A_298 : memref<1000x1000xf32, #tpu.memory_space<vmem_shared>>) dst(%dma_wait3A_294 : memref<16x1000xf32, #tpu.memory_space<vmem>>)
      %mul3A_299 = arith.constant 16 : i32
      %mul3A_300 = arith.muli %add3A_287, %mul3A_299 : i32
      %add3A_301 = arith.addi %mul3A_6, %mul3A_300 : i32
      %dma_start3A_302 = arith.constant 1 : i32
      %dma_start3A_303 = arith.constant 0 : i32
      %dma_start3A_304 = arith.constant 0 : i32
      %dma_start3A_305 = tpu.memref_slice %arg9[%dma_start3A_302, %dma_start3A_303, %dma_start3A_304] : memref<2x16x1000xf32, #tpu.memory_space<vmem>> -> memref<1x16x1000xf32, #tpu.memory_space<vmem>>
      %dma_start3A_306 = tpu.memref_squeeze %dma_start3A_305 : memref<1x16x1000xf32, #tpu.memory_space<vmem>> -> memref<16x1000xf32, #tpu.memory_space<vmem>>
      %dma_start3A_307 = arith.constant 0 : i32
      %dma_start3A_308 = tpu.memref_slice %arg7[%add3A_301, %dma_start3A_307] : memref<57344x1000xf32, #tpu.memory_space<hbm>> -> memref<16x1000xf32, #tpu.memory_space<hbm>>
      %dma_start3A_309 = arith.constant 0 : i32
      %dma_start3A_310 = tpu.memref_slice %arg7[%add3A_301, %dma_start3A_309] : memref<57344x1000xf32, #tpu.memory_space<hbm>> -> memref<16x1000xf32, #tpu.memory_space<hbm>>
      %dma_start3A_311 = arith.constant 0 : i32
      %dma_start3A_312 = arith.constant 0 : i32
      %dma_start3A_313 = tpu.memref_slice %arg9[%dma_start3A_302, %dma_start3A_311, %dma_start3A_312] : memref<2x16x1000xf32, #tpu.memory_space<vmem>> -> memref<1x16x1000xf32, #tpu.memory_space<vmem>>
      %dma_start3A_314 = tpu.memref_squeeze %dma_start3A_313 : memref<1x16x1000xf32, #tpu.memory_space<vmem>> -> memref<16x1000xf32, #tpu.memory_space<vmem>>
      tpu.enqueue_dma source(%dma_start3A_314 : memref<16x1000xf32, #tpu.memory_space<vmem>>) target(%dma_start3A_310 : memref<16x1000xf32, #tpu.memory_space<hbm>>) target_semaphore(%arg20 : memref<!tpu.dma_semaphore, #tpu.memory_space<semaphore_mem>>)
      %add3A_315 = arith.constant 2 : i32
      %add3A_316 = arith.addi %add3A_287, %add3A_315 : i32
      %lt3A_317 = arith.constant 112 : i32
      %lt3A_318 = arith.cmpi slt, %add3A_316, %lt3A_317 : i32
      %convert_element_type3A_319 = arith.extui %lt3A_318 : i1 to i32
      %cond3A_320 = arith.constant 0 : i32
      %cond3A_321 = arith.cmpi ne, %convert_element_type3A_319, %cond3A_320 : i32
      scf.if %cond3A_321 {
        %mul3A_322 = arith.constant 16 : i32
        %mul3A_323 = arith.muli %add3A_287, %mul3A_322 : i32
        %add3A_324 = arith.addi %mul3A_6, %mul3A_323 : i32
        %dma_wait3A_325 = arith.constant 1 : i32
        %dma_wait3A_326 = arith.constant 0 : i32
        %dma_wait3A_327 = arith.constant 0 : i32
        %dma_wait3A_328 = tpu.memref_slice %arg9[%dma_wait3A_325, %dma_wait3A_326, %dma_wait3A_327] : memref<2x16x1000xf32, #tpu.memory_space<vmem>> -> memref<1x16x1000xf32, #tpu.memory_space<vmem>>
        %dma_wait3A_329 = tpu.memref_squeeze %dma_wait3A_328 : memref<1x16x1000xf32, #tpu.memory_space<vmem>> -> memref<16x1000xf32, #tpu.memory_space<vmem>>
        %dma_wait3A_330 = arith.constant 0 : i32
        %dma_wait3A_331 = tpu.memref_slice %arg7[%add3A_324, %dma_wait3A_330] : memref<57344x1000xf32, #tpu.memory_space<hbm>> -> memref<16x1000xf32, #tpu.memory_space<hbm>>
        %dma_wait3A_332 = arith.constant 0 : i32
        %dma_wait3A_333 = tpu.memref_slice %arg7[%add3A_324, %dma_wait3A_332] : memref<57344x1000xf32, #tpu.memory_space<hbm>> -> memref<16x1000xf32, #tpu.memory_space<hbm>>
        %dma_wait3A_334 = arith.constant 0 : i32
        %dma_wait3A_335 = arith.constant 0 : i32
        %dma_wait3A_336 = tpu.memref_slice %arg9[%dma_wait3A_325, %dma_wait3A_334, %dma_wait3A_335] : memref<2x16x1000xf32, #tpu.memory_space<vmem>> -> memref<1x16x1000xf32, #tpu.memory_space<vmem>>
        %dma_wait3A_337 = tpu.memref_squeeze %dma_wait3A_336 : memref<1x16x1000xf32, #tpu.memory_space<vmem>> -> memref<16x1000xf32, #tpu.memory_space<vmem>>
        tpu.wait_dma2 semaphore(%arg20 : memref<!tpu.dma_semaphore, #tpu.memory_space<semaphore_mem>>) src(%dma_wait3A_337 : memref<16x1000xf32, #tpu.memory_space<vmem>>) dst(%dma_wait3A_333 : memref<16x1000xf32, #tpu.memory_space<hbm>>)
        %add3A_338 = arith.constant 2 : i32
        %add3A_339 = arith.addi %add3A_287, %add3A_338 : i32
        %mul3A_340 = arith.constant 16 : i32
        %mul3A_341 = arith.muli %add3A_339, %mul3A_340 : i32
        %dma_start3A_342 = arith.constant 1 : i32
        %dma_start3A_343 = arith.constant 0 : i32
        %dma_start3A_344 = arith.constant 0 : i32
        %dma_start3A_345 = tpu.memref_slice %arg9[%dma_start3A_342, %dma_start3A_343, %dma_start3A_344] : memref<2x16x1000xf32, #tpu.memory_space<vmem>> -> memref<1x16x1000xf32, #tpu.memory_space<vmem>>
        %dma_start3A_346 = tpu.memref_squeeze %dma_start3A_345 : memref<1x16x1000xf32, #tpu.memory_space<vmem>> -> memref<16x1000xf32, #tpu.memory_space<vmem>>
        %dma_start3A_347 = tpu.memref_slice %arg10[%mul3A_341] : memref<1808xi32, #tpu.memory_space<vmem>> -> memref<16xi32, #tpu.memory_space<vmem>>
        %dma_start3A_348 = arith.constant 0 : i32
        %dma_start3A_349 = arith.constant 0 : i32
        %dma_start3A_350 = tpu.memref_slice %arg16[%dma_start3A_348, %dma_start3A_349] : memref<1000x1000xf32, #tpu.memory_space<vmem_shared>> -> memref<1000x1000xf32, #tpu.memory_space<vmem_shared>>
        tpu.enqueue_indirect_dma source(%dma_start3A_350 : memref<1000x1000xf32, #tpu.memory_space<vmem_shared>>) target(%dma_start3A_346 : memref<16x1000xf32, #tpu.memory_space<vmem>>) offsets(%dma_start3A_347 : memref<16xi32, #tpu.memory_space<vmem>>) semaphore(%arg18 : memref<!tpu.dma_semaphore, #tpu.memory_space<semaphore_mem>>)
      } else {
      }
    }
    %scan3A_122 = arith.constant 56 : i32
    %dma_wait3A = arith.constant 0 : i32
    %dma_wait3A_123 = tpu.memref_slice %arg13[%dma_wait3A] : memref<1808xf32, #tpu.memory_space<vmem>> -> memref<128xf32, #tpu.memory_space<vmem>>
    %dma_wait3A_124 = arith.constant 0 : i32
    %dma_wait3A_125 = tpu.memref_slice %arg12[%dma_wait3A_124] : memref<1792xi32, #tpu.memory_space<vmem>> -> memref<128xi32, #tpu.memory_space<vmem>>
    %dma_wait3A_126 = arith.constant 0 : i32
    %dma_wait3A_127 = tpu.memref_slice %arg3[%dma_wait3A_126] : memref<1024000xf32, #tpu.memory_space<hbm>> -> memref<1024000xf32, #tpu.memory_space<hbm>>
    tpu.wait_indirect_dma semaphore(%arg21 : memref<!tpu.dma_semaphore, #tpu.memory_space<semaphore_mem>>) src(%dma_wait3A_127 : memref<1024000xf32, #tpu.memory_space<hbm>>) dst(%dma_wait3A_123 : memref<128xf32, #tpu.memory_space<vmem>>)
    %dma_wait3A_128 = arith.constant 128 : i32
    %dma_wait3A_129 = tpu.memref_slice %arg13[%dma_wait3A_128] : memref<1808xf32, #tpu.memory_space<vmem>> -> memref<128xf32, #tpu.memory_space<vmem>>
    %dma_wait3A_130 = arith.constant 128 : i32
    %dma_wait3A_131 = tpu.memref_slice %arg12[%dma_wait3A_130] : memref<1792xi32, #tpu.memory_space<vmem>> -> memref<128xi32, #tpu.memory_space<vmem>>
    %dma_wait3A_132 = arith.constant 0 : i32
    %dma_wait3A_133 = tpu.memref_slice %arg3[%dma_wait3A_132] : memref<1024000xf32, #tpu.memory_space<hbm>> -> memref<1024000xf32, #tpu.memory_space<hbm>>
    tpu.wait_indirect_dma semaphore(%arg21 : memref<!tpu.dma_semaphore, #tpu.memory_space<semaphore_mem>>) src(%dma_wait3A_133 : memref<1024000xf32, #tpu.memory_space<hbm>>) dst(%dma_wait3A_129 : memref<128xf32, #tpu.memory_space<vmem>>)
    %dma_wait3A_134 = arith.constant 256 : i32
    %dma_wait3A_135 = tpu.memref_slice %arg13[%dma_wait3A_134] : memref<1808xf32, #tpu.memory_space<vmem>> -> memref<128xf32, #tpu.memory_space<vmem>>
    %dma_wait3A_136 = arith.constant 256 : i32
    %dma_wait3A_137 = tpu.memref_slice %arg12[%dma_wait3A_136] : memref<1792xi32, #tpu.memory_space<vmem>> -> memref<128xi32, #tpu.memory_space<vmem>>
    %dma_wait3A_138 = arith.constant 0 : i32
    %dma_wait3A_139 = tpu.memref_slice %arg3[%dma_wait3A_138] : memref<1024000xf32, #tpu.memory_space<hbm>> -> memref<1024000xf32, #tpu.memory_space<hbm>>
    tpu.wait_indirect_dma semaphore(%arg21 : memref<!tpu.dma_semaphore, #tpu.memory_space<semaphore_mem>>) src(%dma_wait3A_139 : memref<1024000xf32, #tpu.memory_space<hbm>>) dst(%dma_wait3A_135 : memref<128xf32, #tpu.memory_space<vmem>>)
    %dma_wait3A_140 = arith.constant 384 : i32
    %dma_wait3A_141 = tpu.memref_slice %arg13[%dma_wait3A_140] : memref<1808xf32, #tpu.memory_space<vmem>> -> memref<128xf32, #tpu.memory_space<vmem>>
    %dma_wait3A_142 = arith.constant 384 : i32
    %dma_wait3A_143 = tpu.memref_slice %arg12[%dma_wait3A_142] : memref<1792xi32, #tpu.memory_space<vmem>> -> memref<128xi32, #tpu.memory_space<vmem>>
    %dma_wait3A_144 = arith.constant 0 : i32
    %dma_wait3A_145 = tpu.memref_slice %arg3[%dma_wait3A_144] : memref<1024000xf32, #tpu.memory_space<hbm>> -> memref<1024000xf32, #tpu.memory_space<hbm>>
    tpu.wait_indirect_dma semaphore(%arg21 : memref<!tpu.dma_semaphore, #tpu.memory_space<semaphore_mem>>) src(%dma_wait3A_145 : memref<1024000xf32, #tpu.memory_space<hbm>>) dst(%dma_wait3A_141 : memref<128xf32, #tpu.memory_space<vmem>>)
    %dma_wait3A_146 = arith.constant 512 : i32
    %dma_wait3A_147 = tpu.memref_slice %arg13[%dma_wait3A_146] : memref<1808xf32, #tpu.memory_space<vmem>> -> memref<128xf32, #tpu.memory_space<vmem>>
    %dma_wait3A_148 = arith.constant 512 : i32
    %dma_wait3A_149 = tpu.memref_slice %arg12[%dma_wait3A_148] : memref<1792xi32, #tpu.memory_space<vmem>> -> memref<128xi32, #tpu.memory_space<vmem>>
    %dma_wait3A_150 = arith.constant 0 : i32
    %dma_wait3A_151 = tpu.memref_slice %arg3[%dma_wait3A_150] : memref<1024000xf32, #tpu.memory_space<hbm>> -> memref<1024000xf32, #tpu.memory_space<hbm>>
    tpu.wait_indirect_dma semaphore(%arg21 : memref<!tpu.dma_semaphore, #tpu.memory_space<semaphore_mem>>) src(%dma_wait3A_151 : memref<1024000xf32, #tpu.memory_space<hbm>>) dst(%dma_wait3A_147 : memref<128xf32, #tpu.memory_space<vmem>>)
    %dma_wait3A_152 = arith.constant 640 : i32
    %dma_wait3A_153 = tpu.memref_slice %arg13[%dma_wait3A_152] : memref<1808xf32, #tpu.memory_space<vmem>> -> memref<128xf32, #tpu.memory_space<vmem>>
    %dma_wait3A_154 = arith.constant 640 : i32
    %dma_wait3A_155 = tpu.memref_slice %arg12[%dma_wait3A_154] : memref<1792xi32, #tpu.memory_space<vmem>> -> memref<128xi32, #tpu.memory_space<vmem>>
    %dma_wait3A_156 = arith.constant 0 : i32
    %dma_wait3A_157 = tpu.memref_slice %arg3[%dma_wait3A_156] : memref<1024000xf32, #tpu.memory_space<hbm>> -> memref<1024000xf32, #tpu.memory_space<hbm>>
    tpu.wait_indirect_dma semaphore(%arg21 : memref<!tpu.dma_semaphore, #tpu.memory_space<semaphore_mem>>) src(%dma_wait3A_157 : memref<1024000xf32, #tpu.memory_space<hbm>>) dst(%dma_wait3A_153 : memref<128xf32, #tpu.memory_space<vmem>>)
    %dma_wait3A_158 = arith.constant 768 : i32
    %dma_wait3A_159 = tpu.memref_slice %arg13[%dma_wait3A_158] : memref<1808xf32, #tpu.memory_space<vmem>> -> memref<128xf32, #tpu.memory_space<vmem>>
    %dma_wait3A_160 = arith.constant 768 : i32
    %dma_wait3A_161 = tpu.memref_slice %arg12[%dma_wait3A_160] : memref<1792xi32, #tpu.memory_space<vmem>> -> memref<128xi32, #tpu.memory_space<vmem>>
    %dma_wait3A_162 = arith.constant 0 : i32
    %dma_wait3A_163 = tpu.memref_slice %arg3[%dma_wait3A_162] : memref<1024000xf32, #tpu.memory_space<hbm>> -> memref<1024000xf32, #tpu.memory_space<hbm>>
    tpu.wait_indirect_dma semaphore(%arg21 : memref<!tpu.dma_semaphore, #tpu.memory_space<semaphore_mem>>) src(%dma_wait3A_163 : memref<1024000xf32, #tpu.memory_space<hbm>>) dst(%dma_wait3A_159 : memref<128xf32, #tpu.memory_space<vmem>>)
    %dma_wait3A_164 = arith.constant 896 : i32
    %dma_wait3A_165 = tpu.memref_slice %arg13[%dma_wait3A_164] : memref<1808xf32, #tpu.memory_space<vmem>> -> memref<128xf32, #tpu.memory_space<vmem>>
    %dma_wait3A_166 = arith.constant 896 : i32
    %dma_wait3A_167 = tpu.memref_slice %arg12[%dma_wait3A_166] : memref<1792xi32, #tpu.memory_space<vmem>> -> memref<128xi32, #tpu.memory_space<vmem>>
    %dma_wait3A_168 = arith.constant 0 : i32
    %dma_wait3A_169 = tpu.memref_slice %arg3[%dma_wait3A_168] : memref<1024000xf32, #tpu.memory_space<hbm>> -> memref<1024000xf32, #tpu.memory_space<hbm>>
    tpu.wait_indirect_dma semaphore(%arg21 : memref<!tpu.dma_semaphore, #tpu.memory_space<semaphore_mem>>) src(%dma_wait3A_169 : memref<1024000xf32, #tpu.memory_space<hbm>>) dst(%dma_wait3A_165 : memref<128xf32, #tpu.memory_space<vmem>>)
    %dma_wait3A_170 = arith.constant 1024 : i32
    %dma_wait3A_171 = tpu.memref_slice %arg13[%dma_wait3A_170] : memref<1808xf32, #tpu.memory_space<vmem>> -> memref<128xf32, #tpu.memory_space<vmem>>
    %dma_wait3A_172 = arith.constant 1024 : i32
    %dma_wait3A_173 = tpu.memref_slice %arg12[%dma_wait3A_172] : memref<1792xi32, #tpu.memory_space<vmem>> -> memref<128xi32, #tpu.memory_space<vmem>>
    %dma_wait3A_174 = arith.constant 0 : i32
    %dma_wait3A_175 = tpu.memref_slice %arg3[%dma_wait3A_174] : memref<1024000xf32, #tpu.memory_space<hbm>> -> memref<1024000xf32, #tpu.memory_space<hbm>>
    tpu.wait_indirect_dma semaphore(%arg21 : memref<!tpu.dma_semaphore, #tpu.memory_space<semaphore_mem>>) src(%dma_wait3A_175 : memref<1024000xf32, #tpu.memory_space<hbm>>) dst(%dma_wait3A_171 : memref<128xf32, #tpu.memory_space<vmem>>)
    %dma_wait3A_176 = arith.constant 1152 : i32
    %dma_wait3A_177 = tpu.memref_slice %arg13[%dma_wait3A_176] : memref<1808xf32, #tpu.memory_space<vmem>> -> memref<128xf32, #tpu.memory_space<vmem>>
    %dma_wait3A_178 = arith.constant 1152 : i32
    %dma_wait3A_179 = tpu.memref_slice %arg12[%dma_wait3A_178] : memref<1792xi32, #tpu.memory_space<vmem>> -> memref<128xi32, #tpu.memory_space<vmem>>
    %dma_wait3A_180 = arith.constant 0 : i32
    %dma_wait3A_181 = tpu.memref_slice %arg3[%dma_wait3A_180] : memref<1024000xf32, #tpu.memory_space<hbm>> -> memref<1024000xf32, #tpu.memory_space<hbm>>
    tpu.wait_indirect_dma semaphore(%arg21 : memref<!tpu.dma_semaphore, #tpu.memory_space<semaphore_mem>>) src(%dma_wait3A_181 : memref<1024000xf32, #tpu.memory_space<hbm>>) dst(%dma_wait3A_177 : memref<128xf32, #tpu.memory_space<vmem>>)
    %dma_wait3A_182 = arith.constant 1280 : i32
    %dma_wait3A_183 = tpu.memref_slice %arg13[%dma_wait3A_182] : memref<1808xf32, #tpu.memory_space<vmem>> -> memref<128xf32, #tpu.memory_space<vmem>>
    %dma_wait3A_184 = arith.constant 1280 : i32
    %dma_wait3A_185 = tpu.memref_slice %arg12[%dma_wait3A_184] : memref<1792xi32, #tpu.memory_space<vmem>> -> memref<128xi32, #tpu.memory_space<vmem>>
    %dma_wait3A_186 = arith.constant 0 : i32
    %dma_wait3A_187 = tpu.memref_slice %arg3[%dma_wait3A_186] : memref<1024000xf32, #tpu.memory_space<hbm>> -> memref<1024000xf32, #tpu.memory_space<hbm>>
    tpu.wait_indirect_dma semaphore(%arg21 : memref<!tpu.dma_semaphore, #tpu.memory_space<semaphore_mem>>) src(%dma_wait3A_187 : memref<1024000xf32, #tpu.memory_space<hbm>>) dst(%dma_wait3A_183 : memref<128xf32, #tpu.memory_space<vmem>>)
    %dma_wait3A_188 = arith.constant 1408 : i32
    %dma_wait3A_189 = tpu.memref_slice %arg13[%dma_wait3A_188] : memref<1808xf32, #tpu.memory_space<vmem>> -> memref<128xf32, #tpu.memory_space<vmem>>
    %dma_wait3A_190 = arith.constant 1408 : i32
    %dma_wait3A_191 = tpu.memref_slice %arg12[%dma_wait3A_190] : memref<1792xi32, #tpu.memory_space<vmem>> -> memref<128xi32, #tpu.memory_space<vmem>>
    %dma_wait3A_192 = arith.constant 0 : i32
    %dma_wait3A_193 = tpu.memref_slice %arg3[%dma_wait3A_192] : memref<1024000xf32, #tpu.memory_space<hbm>> -> memref<1024000xf32, #tpu.memory_space<hbm>>
    tpu.wait_indirect_dma semaphore(%arg21 : memref<!tpu.dma_semaphore, #tpu.memory_space<semaphore_mem>>) src(%dma_wait3A_193 : memref<1024000xf32, #tpu.memory_space<hbm>>) dst(%dma_wait3A_189 : memref<128xf32, #tpu.memory_space<vmem>>)
    %dma_wait3A_194 = arith.constant 1536 : i32
    %dma_wait3A_195 = tpu.memref_slice %arg13[%dma_wait3A_194] : memref<1808xf32, #tpu.memory_space<vmem>> -> memref<128xf32, #tpu.memory_space<vmem>>
    %dma_wait3A_196 = arith.constant 1536 : i32
    %dma_wait3A_197 = tpu.memref_slice %arg12[%dma_wait3A_196] : memref<1792xi32, #tpu.memory_space<vmem>> -> memref<128xi32, #tpu.memory_space<vmem>>
    %dma_wait3A_198 = arith.constant 0 : i32
    %dma_wait3A_199 = tpu.memref_slice %arg3[%dma_wait3A_198] : memref<1024000xf32, #tpu.memory_space<hbm>> -> memref<1024000xf32, #tpu.memory_space<hbm>>
    tpu.wait_indirect_dma semaphore(%arg21 : memref<!tpu.dma_semaphore, #tpu.memory_space<semaphore_mem>>) src(%dma_wait3A_199 : memref<1024000xf32, #tpu.memory_space<hbm>>) dst(%dma_wait3A_195 : memref<128xf32, #tpu.memory_space<vmem>>)
    %dma_wait3A_200 = arith.constant 1664 : i32
    %dma_wait3A_201 = tpu.memref_slice %arg13[%dma_wait3A_200] : memref<1808xf32, #tpu.memory_space<vmem>> -> memref<128xf32, #tpu.memory_space<vmem>>
    %dma_wait3A_202 = arith.constant 1664 : i32
    %dma_wait3A_203 = tpu.memref_slice %arg12[%dma_wait3A_202] : memref<1792xi32, #tpu.memory_space<vmem>> -> memref<128xi32, #tpu.memory_space<vmem>>
    %dma_wait3A_204 = arith.constant 0 : i32
    %dma_wait3A_205 = tpu.memref_slice %arg3[%dma_wait3A_204] : memref<1024000xf32, #tpu.memory_space<hbm>> -> memref<1024000xf32, #tpu.memory_space<hbm>>
    tpu.wait_indirect_dma semaphore(%arg21 : memref<!tpu.dma_semaphore, #tpu.memory_space<semaphore_mem>>) src(%dma_wait3A_205 : memref<1024000xf32, #tpu.memory_space<hbm>>) dst(%dma_wait3A_201 : memref<128xf32, #tpu.memory_space<vmem>>)
    %iota3A = tpu.iota {dimensions = array<i32: 0>} : vector<16xi32>
    %lt3A = arith.constant 2 : i32
    %lt3A_206 = vector.broadcast %lt3A : i32 to vector<16xi32>
    %lt3A_207 = arith.cmpi slt, %iota3A, %lt3A_206 : vector<16xi32>
    %scan3A_208 = arith.constant 0 : i32
    %scan3A_209 = arith.constant 32 : i32
    %scan3A_210 = arith.addi %scan3A_208, %scan3A_209 : i32
    %scan3A_211 = arith.constant 1 : i32
    scf.for %scan3A_245 = %scan3A_208 to %scan3A_210 step %scan3A_211  : i32 {
      %mul3A_246 = arith.constant 56 : i32
      %mul3A_247 = arith.muli %scan3A_245, %mul3A_246 : i32
      %add3A_248 = arith.constant 0 : i32
      %add3A_249 = arith.addi %mul3A_247, %add3A_248 : i32
      %get3A = arith.index_cast %add3A_249 : i32 to index
      %get3A_250 = tpu.vector_load %arg10[%get3A] {strides = array<i32>} : memref<1808xi32, #tpu.memory_space<vmem>>, vector<16xi32>,
      %get3A_251 = arith.index_cast %add3A_249 : i32 to index
      %get3A_252 = tpu.vector_load %arg13[%get3A_251] {strides = array<i32>} : memref<1808xf32, #tpu.memory_space<vmem>>, vector<16xf32>,
      %gather3A = tpu.vector_load_idx %arg14[%get3A_250] : memref<1008xf32, #tpu.memory_space<vmem>>[vector<16xi32>], vector<16xf32>,
      %get3A_253 = arith.constant 0 : index
      %get3A_254 = tpu.vector_load %arg15[%get3A_253] {strides = array<i32>} : memref<16xf32, #tpu.memory_space<vmem>>, vector<16xf32>,
      %sub3A = arith.subf %gather3A, %get3A_252 : vector<16xf32>
      %add3A_255 = arith.addf %get3A_254, %sub3A : vector<16xf32>
      %swap3A_256 = arith.constant 0 : index
      %swap3A_257 = tpu.vector_load %arg15[%swap3A_256] {strides = array<i32>} : memref<16xf32, #tpu.memory_space<vmem>>, vector<16xf32>,
      tpu.vector_store %arg15[%swap3A_256], %add3A_255 {strides = array<i32>} : memref<16xf32, #tpu.memory_space<vmem>>, vector<16xf32>,
      %mul3A_258 = arith.constant 56 : i32
      %mul3A_259 = arith.muli %scan3A_245, %mul3A_258 : i32
      %add3A_260 = arith.constant 16 : i32
      %add3A_261 = arith.addi %mul3A_259, %add3A_260 : i32
      %get3A_262 = arith.index_cast %add3A_261 : i32 to index
      %get3A_263 = tpu.vector_load %arg10[%get3A_262] {strides = array<i32>} : memref<1808xi32, #tpu.memory_space<vmem>>, vector<16xi32>,
      %get3A_264 = arith.index_cast %add3A_261 : i32 to index
      %get3A_265 = tpu.vector_load %arg13[%get3A_264] {strides = array<i32>} : memref<1808xf32, #tpu.memory_space<vmem>>, vector<16xf32>,
      %gather3A_266 = tpu.vector_load_idx %arg14[%get3A_263] : memref<1008xf32, #tpu.memory_space<vmem>>[vector<16xi32>], vector<16xf32>,
      %get3A_267 = arith.constant 0 : index
      %get3A_268 = tpu.vector_load %arg15[%get3A_267] {strides = array<i32>} : memref<16xf32, #tpu.memory_space<vmem>>, vector<16xf32>,
      %sub3A_269 = arith.subf %gather3A_266, %get3A_265 : vector<16xf32>
      %add3A_270 = arith.addf %get3A_268, %sub3A_269 : vector<16xf32>
      %swap3A_271 = arith.constant 0 : index
      %swap3A_272 = tpu.vector_load %arg15[%swap3A_271] {strides = array<i32>} : memref<16xf32, #tpu.memory_space<vmem>>, vector<16xf32>,
      tpu.vector_store %arg15[%swap3A_271], %add3A_270 {strides = array<i32>} : memref<16xf32, #tpu.memory_space<vmem>>, vector<16xf32>,
      %mul3A_273 = arith.constant 56 : i32
      %mul3A_274 = arith.muli %scan3A_245, %mul3A_273 : i32
      %add3A_275 = arith.constant 32 : i32
      %add3A_276 = arith.addi %mul3A_274, %add3A_275 : i32
      %get3A_277 = arith.index_cast %add3A_276 : i32 to index
      %get3A_278 = tpu.vector_load %arg10[%get3A_277] {strides = array<i32>} : memref<1808xi32, #tpu.memory_space<vmem>>, vector<16xi32>,
      %get3A_279 = arith.index_cast %add3A_276 : i32 to index
      %get3A_280 = tpu.vector_load %arg13[%get3A_279] {strides = array<i32>} : memref<1808xf32, #tpu.memory_space<vmem>>, vector<16xf32>,
      %gather3A_281 = tpu.vector_load_idx %arg14[%get3A_278] : memref<1008xf32, #tpu.memory_space<vmem>>[vector<16xi32>], vector<16xf32>,
      %get3A_282 = arith.constant 0 : index
      %get3A_283 = tpu.vector_load %arg15[%get3A_282] {strides = array<i32>} : memref<16xf32, #tpu.memory_space<vmem>>, vector<16xf32>,
      %sub3A_284 = arith.subf %gather3A_281, %get3A_280 : vector<16xf32>
      %add3A_285 = arith.addf %get3A_283, %sub3A_284 : vector<16xf32>
      %swap3A_286 = arith.constant 0 : index
      %swap3A_287 = tpu.vector_load %arg15[%swap3A_286] {strides = array<i32>} : memref<16xf32, #tpu.memory_space<vmem>>, vector<16xf32>,
      tpu.vector_store %arg15[%swap3A_286], %add3A_285 {strides = array<i32>} : memref<16xf32, #tpu.memory_space<vmem>>, vector<16xf32>,
      %mul3A_288 = arith.constant 56 : i32
      %mul3A_289 = arith.muli %scan3A_245, %mul3A_288 : i32
      %add3A_290 = arith.constant 48 : i32
      %add3A_291 = arith.addi %mul3A_289, %add3A_290 : i32
      %get3A_292 = arith.index_cast %add3A_291 : i32 to index
      %get3A_293 = tpu.vector_load %arg10[%get3A_292] {strides = array<i32>} : memref<1808xi32, #tpu.memory_space<vmem>>, vector<16xi32>,
      %get3A_294 = arith.index_cast %add3A_291 : i32 to index
      %get3A_295 = tpu.vector_load %arg13[%get3A_294] {strides = array<i32>} : memref<1808xf32, #tpu.memory_space<vmem>>, vector<16xf32>,
      %gather3A_296 = tpu.vector_load_idx %arg14[%get3A_293] masked %lt3A_207 : memref<1008xf32, #tpu.memory_space<vmem>>[vector<16xi32>], vector<16xf32>, vector<16xi1>
      %get3A_297 = arith.constant 0 : index
      %get3A_298 = tpu.vector_load %arg15[%get3A_297] {strides = array<i32>} : memref<16xf32, #tpu.memory_space<vmem>>, vector<16xf32>,
      %sub3A_299 = arith.subf %gather3A_296, %get3A_295 : vector<16xf32>
      %broadcast_in_dim3A_300 = arith.constant 0.000000e+00 : f32
      %broadcast_in_dim3A_301 = vector.broadcast %broadcast_in_dim3A_300 : f32 to vector<16xf32>
      %select_n3A = arith.select %lt3A_207, %sub3A_299, %broadcast_in_dim3A_301 : vector<16xi1>, vector<16xf32>
      %add3A_302 = arith.addf %get3A_298, %select_n3A : vector<16xf32>
      %swap3A_303 = arith.constant 0 : index
      %swap3A_304 = tpu.vector_load %arg15[%swap3A_303] {strides = array<i32>} : memref<16xf32, #tpu.memory_space<vmem>>, vector<16xf32>,
      tpu.vector_store %arg15[%swap3A_303], %add3A_302 {strides = array<i32>} : memref<16xf32, #tpu.memory_space<vmem>>, vector<16xf32>,
    }
    %scan3A_212 = arith.constant 32 : i32
    %add3A_213 = arith.constant 1760 : i32
    %add3A_214 = arith.addi %mul3A_6, %add3A_213 : i32
    %dma_wait3A_215 = arith.constant 0 : i32
    %dma_wait3A_216 = arith.constant 0 : i32
    %dma_wait3A_217 = arith.constant 0 : i32
    %dma_wait3A_218 = tpu.memref_slice %arg9[%dma_wait3A_215, %dma_wait3A_216, %dma_wait3A_217] : memref<2x16x1000xf32, #tpu.memory_space<vmem>> -> memref<1x16x1000xf32, #tpu.memory_space<vmem>>
    %dma_wait3A_219 = tpu.memref_squeeze %dma_wait3A_218 : memref<1x16x1000xf32, #tpu.memory_space<vmem>> -> memref<16x1000xf32, #tpu.memory_space<vmem>>
    %dma_wait3A_220 = arith.constant 0 : i32
    %dma_wait3A_221 = tpu.memref_slice %arg7[%add3A_214, %dma_wait3A_220] : memref<57344x1000xf32, #tpu.memory_space<hbm>> -> memref<16x1000xf32, #tpu.memory_space<hbm>>
    %dma_wait3A_222 = arith.constant 0 : i32
    %dma_wait3A_223 = tpu.memref_slice %arg7[%add3A_214, %dma_wait3A_222] : memref<57344x1000xf32, #tpu.memory_space<hbm>> -> memref<16x1000xf32, #tpu.memory_space<hbm>>
    %dma_wait3A_224 = arith.constant 0 : i32
    %dma_wait3A_225 = arith.constant 0 : i32
    %dma_wait3A_226 = tpu.memref_slice %arg9[%dma_wait3A_215, %dma_wait3A_224, %dma_wait3A_225] : memref<2x16x1000xf32, #tpu.memory_space<vmem>> -> memref<1x16x1000xf32, #tpu.memory_space<vmem>>
    %dma_wait3A_227 = tpu.memref_squeeze %dma_wait3A_226 : memref<1x16x1000xf32, #tpu.memory_space<vmem>> -> memref<16x1000xf32, #tpu.memory_space<vmem>>
    tpu.wait_dma2 semaphore(%arg19 : memref<!tpu.dma_semaphore, #tpu.memory_space<semaphore_mem>>) src(%dma_wait3A_227 : memref<16x1000xf32, #tpu.memory_space<vmem>>) dst(%dma_wait3A_223 : memref<16x1000xf32, #tpu.memory_space<hbm>>)
    %add3A_228 = arith.constant 1776 : i32
    %add3A_229 = arith.addi %mul3A_6, %add3A_228 : i32
    %dma_wait3A_230 = arith.constant 1 : i32
    %dma_wait3A_231 = arith.constant 0 : i32
    %dma_wait3A_232 = arith.constant 0 : i32
    %dma_wait3A_233 = tpu.memref_slice %arg9[%dma_wait3A_230, %dma_wait3A_231, %dma_wait3A_232] : memref<2x16x1000xf32, #tpu.memory_space<vmem>> -> memref<1x16x1000xf32, #tpu.memory_space<vmem>>
    %dma_wait3A_234 = tpu.memref_squeeze %dma_wait3A_233 : memref<1x16x1000xf32, #tpu.memory_space<vmem>> -> memref<16x1000xf32, #tpu.memory_space<vmem>>
    %dma_wait3A_235 = arith.constant 0 : i32
    %dma_wait3A_236 = tpu.memref_slice %arg7[%add3A_229, %dma_wait3A_235] : memref<57344x1000xf32, #tpu.memory_space<hbm>> -> memref<16x1000xf32, #tpu.memory_space<hbm>>
    %dma_wait3A_237 = arith.constant 0 : i32
    %dma_wait3A_238 = tpu.memref_slice %arg7[%add3A_229, %dma_wait3A_237] : memref<57344x1000xf32, #tpu.memory_space<hbm>> -> memref<16x1000xf32, #tpu.memory_space<hbm>>
    %dma_wait3A_239 = arith.constant 0 : i32
    %dma_wait3A_240 = arith.constant 0 : i32
    %dma_wait3A_241 = tpu.memref_slice %arg9[%dma_wait3A_230, %dma_wait3A_239, %dma_wait3A_240] : memref<2x16x1000xf32, #tpu.memory_space<vmem>> -> memref<1x16x1000xf32, #tpu.memory_space<vmem>>
    %dma_wait3A_242 = tpu.memref_squeeze %dma_wait3A_241 : memref<1x16x1000xf32, #tpu.memory_space<vmem>> -> memref<16x1000xf32, #tpu.memory_space<vmem>>
    tpu.wait_dma2 semaphore(%arg20 : memref<!tpu.dma_semaphore, #tpu.memory_space<semaphore_mem>>) src(%dma_wait3A_242 : memref<16x1000xf32, #tpu.memory_space<vmem>>) dst(%dma_wait3A_238 : memref<16x1000xf32, #tpu.memory_space<hbm>>)
    %mul3A_243 = arith.constant 16 : i32
    %mul3A_244 = arith.muli %add3A, %mul3A_243 : i32
    "tpu.region"() ({
      %run_scoped3A = tpu.sem_alloc : memref<!tpu.dma_semaphore, #tpu.memory_space<semaphore_mem>>
      %dma_start3A_245 = tpu.memref_slice %arg8[%mul3A_244] : memref<512xf32, #tpu.memory_space<hbm>> -> memref<16xf32, #tpu.memory_space<hbm>>
      %dma_start3A_246 = tpu.memref_slice %arg8[%mul3A_244] : memref<512xf32, #tpu.memory_space<hbm>> -> memref<16xf32, #tpu.memory_space<hbm>>
      tpu.enqueue_dma source(%arg15 : memref<16xf32, #tpu.memory_space<vmem>>) target(%dma_start3A_246 : memref<16xf32, #tpu.memory_space<hbm>>) target_semaphore(%run_scoped3A : memref<!tpu.dma_semaphore, #tpu.memory_space<semaphore_mem>>)
      %dma_wait3A_247 = tpu.memref_slice %arg8[%mul3A_244] : memref<512xf32, #tpu.memory_space<hbm>> -> memref<16xf32, #tpu.memory_space<hbm>>
      %dma_wait3A_248 = tpu.memref_slice %arg8[%mul3A_244] : memref<512xf32, #tpu.memory_space<hbm>> -> memref<16xf32, #tpu.memory_space<hbm>>
      tpu.wait_dma2 semaphore(%run_scoped3A : memref<!tpu.dma_semaphore, #tpu.memory_space<semaphore_mem>>) src(%arg15 : memref<16xf32, #tpu.memory_space<vmem>>) dst(%dma_wait3A_248 : memref<16xf32, #tpu.memory_space<hbm>>)
      tpu.yield
    }) : () -> ()
    return
  }
}

module attributes {stable_mosaic.version = 14 : i64} {
  func.func @_lse_body(%arg0: memref<1000x1000xf32, #tpu.memory_space<vmem>>, %arg1: memref<1000xf32, #tpu.memory_space<vmem>>) attributes {dimension_semantics = [], scalar_prefetch = 0 : i64, scratch_operands = 0 : i64, tpu.core_type = #tpu.core_type<tc>} {
    %get3A = arith.constant 0 : index
    %get3A_0 = arith.constant 0 : index
    %get3A_1 = vector.load %arg0[%get3A, %get3A_0] : memref<1000x1000xf32, #tpu.memory_space<vmem>>, vector<1000x1000xf32>
    %reduce_max3A = arith.constant dense<0xFF800000> : vector<1000xf32>
    %reduce_max3A_2 = vector.multi_reduction <maximumf>, %get3A_1, %reduce_max3A [1] : vector<1000x1000xf32> to vector<1000xf32>
    %broadcast_in_dim3A = vector.shape_cast %reduce_max3A_2 : vector<1000xf32> to vector<1000x1xf32>
    %sub3A = vector.broadcast %broadcast_in_dim3A : vector<1000x1xf32> to vector<1000x1000xf32>
    %sub3A_3 = arith.subf %get3A_1, %sub3A : vector<1000x1000xf32>
    %exp3A = math.exp %sub3A_3 : vector<1000x1000xf32>
    %reduce_sum3A = arith.constant dense<0.000000e+00> : vector<1000xf32>
    %reduce_sum3A_4 = vector.multi_reduction <add>, %exp3A, %reduce_sum3A [1] : vector<1000x1000xf32> to vector<1000xf32>
    %log3A = math.log %reduce_sum3A_4 : vector<1000xf32>
    %add3A = arith.addf %reduce_max3A_2, %log3A : vector<1000xf32>
    %swap3A = arith.constant 0 : index
    %swap3A_5 = vector.load %arg1[%swap3A] : memref<1000xf32, #tpu.memory_space<vmem>>, vector<1000xf32>
    tpu.vector_store %arg1[%swap3A], %add3A {strides = array<i32>} : memref<1000xf32, #tpu.memory_space<vmem>>, vector<1000xf32>,
    return
  }
}

</mosaic_0001>

<sc_bundles>
// kernel: kernel.4.cloned.1.call-start
scs
__scs_entry_jumppad:
0x0: {  	(pc) =	sbr.rel $0x88, $3  }
0x1: {  	(tag) =	ssettag $0x0;
	lr =	simm.s32 $0x1  }
0x2: {  	[smem:$0x3F9E] =	sst lr;
	_ =	strace $0xD0000000  }
0x3: {  	_ = 	snop  }
0x4: {  	_ = 	snop  }
0x5: {  	_ = 	snop  }
0x6: {  	_ = 	snop  }
0x7: {  	_ = 	snop  }
__scs_overlays_trampoline_lowered:
0x8: {  	[smem:$0x3FAD] =	sst s0  }
0x9: {  	[smem:$0x3FAE] =	sst s1  }
0xa: {  	[smem:$0x3FAF] =	sst s2  }
0xb: {  	[smem:$0x3FB0] =	sst s3  }
0xc: {  	[smem:$0x3FB1] =	sst s4  }
0xd: {  	[smem:$0x3FB2] =	sst s5  }
0xe: {  	[smem:$0x3FB3] =	sst s6  }
0xf: {  	[smem:$0x3FB4] =	sst s7  }
0x10: {  	[smem:$0x3FB5] =	sst s8  }
0x11: {  	[smem:$0x3FB6] =	sst s9;
	s0 =	simm.s32 @!p0 $0x0  }
0x12: {  	s1 =	sld [smem:$0x3F9C];
	s0 =	simm.s32 @p0 $0x1  }
0x13: {  	[smem:$0x3FB7] =	sst s0;
	s0 =	simm.s32 @!p1 $0x0  }
0x14: {  	s2 =	sld [smem:$0x3F9B];
	s0 =	simm.s32 @p1 $0x1  }
0x15: {  	[smem:$0x3FB8] =	sst s0;
	s0 =	simm.s32 @!p2 $0x0  }
0x16: {  	s3 =	sld [smem:$0x3FDB];
	s0 =	simm.s32 @p2 $0x1  }
0x17: {  	s4 =	simm.s32 $0x1BF5;
	[smem:$0x3FBA] =	sst s0  }
0x18: {  	s0 =	sld [smem:$0x3F9D];
	_ =	swait.ge [sflag:s4], $0x0  }
0x19: {  	s7 =	sld [smem:$0x3F9E]  }
0x1a: {  	s8 =	sadd.s32 $0xFFFFE003, lr  }
0x1b: {  	s9 =	sadd.s32 $0xFFFFFEF7, lr;
	s5 =	simm.s32 $0xFFFFFFFF;
	p2 =	slt.u32 s8, $0xFFFFF086  }
0x1c: {  	p1 =	slt.u32 s9, $0xF7A;
	s5 =	simm.s32 @!p2 $0x0  }
0x1d: {  	s5 =	simm.s32 @p1 $0x1;
	p0 =	seq.s32 s7, s2  }
0x1e: {  	s7 =	smul.u32 @!p0 $0xF7A, s2;
	p2 =	seq.s32 @!p0 s5, $0x0  }
0x1f: {  	s9 =	smul.u32 $0xF7A, s1;
	s8 =	simm.s32 @!p0 $0x1BF5;
	p2 =	por !p2, p0  }
0x20: {  	[sflag:s8] =	ssyncset.s32 @!p0 $0xFFFFF086;
	s6 =	sadd.s32 @!p0 s3, s7;
	s7 =	simm.s32 @!p0 $0x108  }
0x21: {  	s3 =	sadd.s32 s3, s9;
	s6 =	sadd.s32 @!p0 $0x88, s6;
	s7 =	simm.s32 @p2 $0x1082  }
0x22: {  	[simem:s7], [sflag:s8] =	dma.local @!p0 [hbm:s6], $0xF7A  }
0x23: {  	s9 =	sor.u32 $0xD0000000, s2;
	s6 =	simm.s32 $0x108;
	_ =	swait.ge @!p0 [sflag:s8], $0x0  }
0x24: {  	s3 =	sadd.s32 $0x88, s3;
	s6 =	simm.s32 @!p1 $0x1082;
	[sflag:s4] =	ssyncset.s32 $0xFFFFF086  }
0x25: {  	[simem:s6], [sflag:s4] =	dma.local [hbm:s3], $0xF7A  }
0x26: {  	[smem:$0x3F9E] =	sst s1;
	(tag) =	ssettag s2;
	_ =	strace s9  }
0x27: {  	s1 =	sld [smem:$0x3FAE]  }
0x28: {  	s2 =	sld [smem:$0x3FAF]  }
0x29: {  	s4 =	sld [smem:$0x3FB1]  }
0x2a: {  	p0 =	seq.s32 s5, $0x0;
	s5 =	sld [smem:$0x3FB2]  }
0x2b: {  	s6 =	sld [smem:$0x3FB3]  }
0x2c: {  	s7 =	sld [smem:$0x3FB4]  }
0x2d: {  	s3 =	simm.s32 $0x108;
	s8 =	sld [smem:$0x3FB5]  }
0x2e: {  	s3 =	simm.s32 @!p0 $0x1082;
	s9 =	sld [smem:$0x3FB6]  }
0x2f: {  	lr =	sadd.s32 s0, s3;
	s0 =	sld [smem:$0x3FAD]  }
0x30: {  	s3 =	sld [smem:$0x3FB0]  }
0x31: {  	[smem:$0x3FB9] =	sst s10  }
0x32: {  	s10 =	sld [smem:$0x3FB7];
	_ =	sdelay $0x3  }
0x33: {  	p0 =	seq.s32 s10, $0x1;
	s10 =	sld [smem:$0x3FB9];
	_ =	sdelay $0x3  }
0x34: {  	[smem:$0x3FB9] =	sst s10  }
0x35: {  	s10 =	sld [smem:$0x3FB8];
	_ =	sdelay $0x3  }
0x36: {  	p1 =	seq.s32 s10, $0x1;
	s10 =	sld [smem:$0x3FB9];
	_ =	sdelay $0x3  }
0x37: {  	[smem:$0x3FB9] =	sst s10  }
0x38: {  	s10 =	sld [smem:$0x3FBA]  }
0x39: {  	_ = 	snop;
	(pc) =	sbr.ind lr, $3  }
0x3a: {  	_ = 	snop  }
0x3b: {  	_ = 	snop  }
0x3c: {  	p2 =	seq.s32 s10, $0x1;
	s10 =	sld [smem:$0x3FB9]  }
0x3d: {  	_ =	shalt  }
0x3e: {  	_ =	shalt  }
0x3f: {  	_ =	shalt  }
0x40: {  	_ =	shalt  }
0x41: {  	_ =	shalt  }
0x42: {  	_ =	shalt  }
0x43: {  	_ =	shalt  }
0x44: {  	_ =	shalt  }
0x45: {  	_ =	shalt  }
0x46: {  	_ =	shalt  }
0x47: {  	_ =	shalt  }
0x48: {  	_ =	shalt  }
0x49: {  	_ =	shalt  }
0x4a: {  	_ =	shalt  }
0x4b: {  	_ =	shalt  }
0x4c: {  	_ =	shalt  }
0x4d: {  	_ =	shalt  }
0x4e: {  	_ =	shalt  }
0x4f: {  	_ =	shalt  }
0x50: {  	_ =	shalt  }
0x51: {  	_ =	shalt  }
0x52: {  	_ =	shalt  }
0x53: {  	_ =	shalt  }
0x54: {  	_ =	shalt  }
0x55: {  	_ =	shalt  }
0x56: {  	_ =	shalt  }
0x57: {  	_ =	shalt  }
0x58: {  	_ =	shalt  }
0x59: {  	_ =	shalt  }
0x5a: {  	_ =	shalt  }
0x5b: {  	_ =	shalt  }
0x5c: {  	_ =	shalt  }
0x5d: {  	_ =	shalt  }
0x5e: {  	_ =	shalt  }
0x5f: {  	_ =	shalt  }
0x60: {  	_ =	shalt  }
0x61: {  	_ =	shalt  }
0x62: {  	_ =	shalt  }
0x63: {  	_ =	shalt  }
0x64: {  	_ =	shalt  }
0x65: {  	_ =	shalt  }
0x66: {  	_ =	shalt  }
0x67: {  	_ =	shalt  }
0x68: {  	_ =	shalt  }
0x69: {  	_ =	shalt  }
0x6a: {  	_ =	shalt  }
0x6b: {  	_ =	shalt  }
0x6c: {  	_ =	shalt  }
0x6d: {  	_ =	shalt  }
0x6e: {  	_ =	shalt  }
0x6f: {  	_ =	shalt  }
0x70: {  	_ =	shalt  }
0x71: {  	_ =	shalt  }
0x72: {  	_ =	shalt  }
0x73: {  	_ =	shalt  }
0x74: {  	_ =	shalt  }
0x75: {  	_ =	shalt  }
0x76: {  	_ =	shalt  }
0x77: {  	_ =	shalt  }
0x78: {  	_ =	shalt  }
0x79: {  	_ =	shalt  }
0x7a: {  	_ =	shalt  }
0x7b: {  	_ =	shalt  }
0x7c: {  	_ =	shalt  }
0x7d: {  	_ =	shalt  }
0x7e: {  	_ =	shalt  }
0x7f: {  	_ =	shalt  }
0x80: {  	_ =	shalt  }
0x81: {  	_ =	shalt  }
0x82: {  	_ =	shalt  }
0x83: {  	_ =	shalt  }
0x84: {  	_ =	shalt  }
0x85: {  	_ =	shalt  }
0x86: {  	_ =	shalt  }
0x87: {  	_ =	shalt  }
.Lfunc_end0:
.L_simem_size_0:
called_computation.1_lowered:
.L_overlay_start_0:
0x88: {  	s2 =	sld [smem:$0x3FD9]  }
0x89: {  	s3 =	sld [smem:$0x3FFE];
	_ =	sdelay $0x1  }
0x8a: {  	s1 =	srdreg.scid  }
0x8b: {  	s0 =	sand.u32 $0x1, s1  }
0x8c: {  	s14 =	sshll.u32 s0, $0xA;
	s2 =	sadd.s32 s3, s2  }
0x8d: {  	s2 =	sadd.s32 s2, s14  }
0x8e: {  	[smem:$0x3FC5] =	sst s2  }
0x8f: {  	_ = 	snop  }
0x90: {  	s2 =	sld [smem:$0x3FD0];
	_ =	sdelay $0x2  }
0x91: {  	s15 =	simm.s32 $0xA;
	s4 =	simm.s32 $0x10  }
0x92: {  	[smem:s4], [sflag:s15] =	dma.local [hbm:s2], $0x1  }
0x93: {  	_ =	swait.eq [sflag:s15], $0x1  }
0x94: {  	[sflag:s15] =	ssyncset.done $0x0  }
0x95: {  	[sflag:s15] =	ssyncadd.s32 $0xFFFFFFFF  }
0x96: {  	s16 =	sld [smem:$0x10];
	(tm) =	ssettm $0x1  }
0x97: {  	s17 =	sld [smem:$0x3FFB];
	_ =	sdelay $0x3  }
0x98: {  	_ =	strace s17  }
0x99: {  	s3 =	sld [smem:$0x3FFC];
	_ =	sdelay $0x3  }
0x9a: {  	_ =	strace s3  }
0x9b: {  	s3 =	sld [smem:$0x3FFD];
	_ =	sdelay $0x3  }
0x9c: {  	_ =	strace s3  }
0x9d: {  	_ =	strace $0x8FFFFFFF  }
0x9e: {  	s18 =	sld [smem:$0x3FDB];
	_ =	sdelay $0x1  }
0x9f: {  	s19 =	simm.s32 $_scs_section_size  }
0xa0: {  	s5 =	simm.s32 $_size__tile_overlayer_lowered;
	s6 =	simm.s32 $_tile_overlayer_lowered  }
0xa1: {  	s22 =	simm.s32 $0x1BFF;
	s21 =	sshll.u32 s6, $0x1;
	s3 =	sadd.s32 s19, s18  }
0xa2: {  	s7 =	simm.s32 $0x0;
	s20 =	sshll.u32 s5, $0x1;
	s5 =	sadd.s32 s21, s3  }
0xa3: {  	[timem:s7], [sflag:s22] =	dma.local [hbm:s5], s20  }
0xa4: {  	_ =	swait.ge [sflag:s22], s20  }
0xa5: {  	s4 =	ssub.s32 $0x0, s20;
	[sflag:s22] =	ssyncset.done $0x0  }
0xa6: {  	[sflag:s22] =	ssyncadd.s32 s4;
	_ =	sdelay $0x1  }
0xa7: {  	s23 =	simm.s32 $0x1B8B  }
0xa8: {  	_ =	swait.ge [sflag:s23], $0x1  }
0xa9: {  	[sflag:s23] =	ssyncset.done $0x0  }
0xaa: {  	s25 =	simm.s32 $0x1B8E;
	s24 =	sld [smem:$0x3FFE];
	[sflag:s23] =	ssyncadd.s32 $0xFFFFFFFF  }
0xab: {  	s26 =	simm.s32 $execute0_lowered;
	[smem:$0x3FD2] =	sst s25  }
0xac: {  	s5 =	sshll.u32 s26, $0x1;
	_ =	strace $0x80000046;
	[dreg:$0x1] =	wrdreg $0xFFFFFFFF  }
0xad: {  	s28 =	simm.s32 $_size_execute0_lowered;
	s3 =	sadd.s32 s3, s5;
	[dreg:$0x0] =	wrdreg $0x0  }
0xae: {  	s5 =	sshll.u32 s28, $0x1;
	[dreg:$0x2] =	wrdreg s3  }
0xaf: {  	[dreg:$0x3] =	wrdreg s5  }
0xb0: {  	[dreg:$0x4] =	wrdreg $0xC0  }
0xb1: {  	_ =	task [dreg:s7], $0x5FFFF  }
0xb2: {  	[dreg:$0x1] =	wrdreg $0xFFFFFFFF  }
0xb3: {  	[dreg:$0x0] =	wrdreg $0x60  }
0xb4: {  	[dreg:$0x2] =	wrdreg s24  }
0xb5: {  	[dreg:$0x3] =	wrdreg s16  }
0xb6: {  	[dreg:$0x4] =	wrdreg $0x9D200  }
0xb7: {  	[dreg:$0x5] =	wrdreg $0x9  }
0xb8: {  	_ =	task.clear_ibuf [dreg:s7], $0x6FFFF;
	_ =	strace $0x90000046  }
0xb9: {  	s29 =	simm.s32 $0x9;
	_ =	strace $0x80000048  }
0xba: {  	_ =	swait.ge [sflag:s29], $0x1  }
0xbb: {  	[sflag:s29] =	ssyncadd.s32 $0xFFFFFFFF  }
0xbc: {  	_ =	strace $0x90000048  }
0xbd: {  	_ =	sfence  }
0xbe: {  	s30 =	sld [smem:$0x0];
	_ =	sdelay $0x2  }
0xbf: {  	s31 =	sshll.u32 s1, $0xD;
	s1 =	sshrl.u32 s1, $0x2  }
0xc0: {  	s3 =	sand.u32 $0x4000, s31;
	s1 =	sadd.s32 s1, s30  }
0xc1: {  	s0 =	sor.u32 s3, s0;
	s1 =	sshll.u32 s1, $0x11  }
0xc2: {  	s0 =	sor.u32 s1, s0  }
0xc3: {  	s0 =	sadd.s32 $0x8F2B, s0  }
0xc4: {  	[sflag:s0] =	ssyncadd.remote.s32 $0x1  }
0xc5: {  	_ =	sfence.sel $0xFFFF  }
0xc6: {  	[dreg:$0x0] =	wrdreg $0xFFFFFFFF;
	(pc) =	sbr.abs _section_cstart, $3  }
0xc7: {  	[dreg:$0x1] =	wrdreg $0xFFFFFFFF  }
0xc8: {  	_ =	task.clear_ibuf [dreg:s7], $0x2FFFF;
	_ =	strace $0x9FFFFFFF  }
0xc9: {  	(tm) =	ssettm $0x7FFFFFFF  }
tec
execute0_lowered:
.L_overlay_start_1:
0x0: {  	(tag) =	ssettag $0x1  }
0x1: {  	s0 =	rddreg [dreg:$0x0];
	s2 =	srdreg.scid  }
0x2: {  	s12 =	stileid.u32;
	s1 =	rddreg [dreg:$0x1]  }
0x3: {  	s17 =	simm.s32 $0x9920;
	s18 =	simm.s32 $0x80;
	s19 =	simm.s32 $0x10  }
0x4: {  	s21 =	simm.s32 $0x3E80;
	s22 =	simm.s32 $0x1;
	s23 =	simm.s32 $0x3  }
0x5: {  	s24 =	simm.s32 $0x2;
	s25 =	simm.s32 $0x4;
	s28 =	simm.s32 $0x9D10  }
0x6: {  	s29 =	simm.s32 $0x0;
	s11 =	sand.u32 $0x1, s2;
	s3 =	sshll.u32 s12, $0x1  }
0x7: {  	s2 =	rddreg [dreg:$0x2];
	s13 =	sadd.s32 $0x23400, s0;
	s14 =	smul.u32 $0x6D600, s12  }
0x8: {  	p0 =	sne.s32 s12, $0x0;
	s6 =	sor.u32 s11, s3;
	s15 =	smul.u32 $0x36B00, s11  }
0x9: {  	s3 =	simm.s32 $0x0;
	s9 =	ssub.s32 $0x2, s11;
	s4 =	smul.u32 $0x700, s6  }
0xa: {  	[smem:$0x7FF] =	sst s3;
	s8 =	sshll.u32 s6, $0x1;
	s26 =	sshrl.u32 s9, $0x1  }
0xb: {  	s10 =	smul.u32 $0x36B00, s6;
	s31 =	sadd.s32 s14, s13;
	s14 =	simm.s32 $0x7D00  }
0xc: {  	_ =	strace $0x80000047;
	s9 =	ssub.s32 s9, s26;
	s12 =	sadd.s32 s15, s31  }
0xd: {  	s15 =	simm.s32 $0x6;
	s26 =	simm.s32 $0x5;
	s5 =	sshrl.u32 s4, $0x3  }
0xe: {  	s4 =	sadd.s32 $0x1000, s0;
	s30 =	sadd.s32 s13, s10;
	s9 =	smax.u32 s9, $0x1  }
0xf: {  	s13 =	sshrl.u32 @!p0 s2, $0x3;
	s7 =	sadd.s32 s5, s0;
	s5 =	sadd.s32 $0x23200, s0  }
0x10: {  	s0 =	sadd.s32 s8, s0;
	s10 =	sadd.s32 $0x35B60, s30;
	s11 =	sadd.s32 $0x36330, s30  }
0x11: {  	v0 =	vimm.f32 $0.0e+00;
	vm0 =	vmmov $0x3;
	s6 =	sadd.s32 $0x1FA00, s7;
	s7 =	sadd.s32 $0x21600, s7;
	s8 =	sadd.s32 $0x6F9400, s0  }
.LBB2_1:
0x12: {  	s0 =	simm.s32 @!p0 $0x1C06  }
0x13: {  	[spmem:s13], [sflag:s0] =	dma.local @!p0 [hbm:s4], $0x1E848  }
0x14: {  	s0 =	simm.s32 @!p0 $0x6  }
0x15: {  	_ =	swait.ge @!p0 [sflag:s0], $0x1E848  }
0x16: {  	[sflag:s0] =	ssyncset.done @!p0 $0x0  }
0x17: {  	[sflag:s0] =	ssyncadd.s32 @!p0 $0xFFFE17B8  }
0x18: {  	[tilespmem:s14], [sflag:$0x6] =	stream.linear.gather [hbm4b:s6+s3], $0x700, $0x38;
	[tilespmem:$0x19148] =	vst v63  }
0x19: {  	_ =	swait.ge [sflag:s15], $0x700  }
0x1a: {  	[sflag:s15] =	ssyncset.done $0x0  }
0x1b: {  	s31 =	simm.s32 $0x8410;
	[sflag:s15] =	ssyncadd.s32 $0xFFFFF900  }
0x1c: {  	[tilespmem:s31], [sflag:$0x6] =	stream.linear.gather [hbm4b:s7+s3], $0x700, $0x38;
	[tilespmem:$0x19148] =	vst v63  }
0x1d: {  	_ =	swait.ge [sflag:s15], $0x700  }
0x1e: {  	[sflag:s15] =	ssyncset.done $0x0  }
0x1f: {  	[sflag:s15] =	ssyncadd.s32 $0xFFFFF900  }
0x20: {  	[tilespmem:s17], [sflag:$0x6] =	stream.linear.gather [hbm4b:s5+s3], $0x3F0, $0x38;
	[tilespmem:$0x19148] =	vst v63  }
0x21: {  	_ =	swait.ge [sflag:s15], $0x3F0  }
0x22: {  	[sflag:s15] =	ssyncset.done $0x0  }
0x23: {  	[sflag:s15] =	ssyncadd.s32 $0xFFFFFC10  }
0x24: {  	[tilespmem:$0x9D10] =	vst v0  }
0x25: {  	s0 =	simm.s32 $0x0;
	[bflag:$0x0] =	sbarrier.arrive $0xFFFF  }
0x26: {  	v1 =	vld [tilespmem:s0+$0x7D00]  }
0x27: {  	s30 =	simm.s32 $0x40;
	v2 =	vld [tilespmem:s0+$0x8410]  }
.LBB2_2:
0x28: {  	p1 =	sne.s32 s30, $0x1BC0  }
.Ltmp0:
0x29: {  	_ = 	snop;
	(pc) =	sbr.rel @p1 .LBB2_2-.Ltmp0, $4  }
0x2a: {  	_ = 	snop  }
0x2b: {  	s31 =	sshra.s32 s30, $0x2;
	s30 =	sadd.s32 $0x40, s30;
	v3 =	vshll.u32 v1, $0xA  }
0x2c: {  	v1 =	vld [tilespmem:s31+$0x7D00];
	v3 =	vadd.s32 v2, v3  }
0x2d: {  	v2 =	vld [tilespmem:s31+$0x8410];
	[tilespmem:s0+$0x8B10] =	vst v3;
	s0 =	smov.u32 s31  }
0x2e: {  	_ =	sdelay $0x2  }
0x2f: {  	v1 =	vshll.u32 v1, $0xA  }
0x30: {  	v1 =	vadd.s32 v2, v1  }
0x31: {  	s20 =	simm.s32 $0x8B10;
	s16 =	simm.s32 $0x9210;
	[tilespmem:s0+$0x8B10] =	vst v1  }
0x32: {  	[tilespmem:s16], [sflag:$0x5] =	stream.indirect.gather [hbm4b:s1+s18], $0x1, s20, s18, $0xb8;
	[tilespmem:$0x19148] =	vst v63  }
0x33: {  	s16 =	simm.s32 $0x8B90;
	s20 =	simm.s32 $0x9290  }
0x34: {  	[tilespmem:s20], [sflag:$0x5] =	stream.indirect.gather [hbm4b:s1+s18], $0x1, s16, s18, $0xb8;
	[tilespmem:$0x19148] =	vst v63  }
0x35: {  	s16 =	simm.s32 $0x8C10;
	s20 =	simm.s32 $0x9310  }
0x36: {  	[tilespmem:s20], [sflag:$0x5] =	stream.indirect.gather [hbm4b:s1+s18], $0x1, s16, s18, $0xb8;
	[tilespmem:$0x19148] =	vst v63  }
0x37: {  	s16 =	simm.s32 $0x8C90;
	s20 =	simm.s32 $0x9390  }
0x38: {  	[tilespmem:s20], [sflag:$0x5] =	stream.indirect.gather [hbm4b:s1+s18], $0x1, s16, s18, $0xb8;
	[tilespmem:$0x19148] =	vst v63  }
0x39: {  	s16 =	simm.s32 $0x8D10;
	s20 =	simm.s32 $0x9410  }
0x3a: {  	[tilespmem:s20], [sflag:$0x5] =	stream.indirect.gather [hbm4b:s1+s18], $0x1, s16, s18, $0xb8;
	[tilespmem:$0x19148] =	vst v63  }
0x3b: {  	s16 =	simm.s32 $0x8D90;
	s20 =	simm.s32 $0x9490  }
0x3c: {  	[tilespmem:s20], [sflag:$0x5] =	stream.indirect.gather [hbm4b:s1+s18], $0x1, s16, s18, $0xb8;
	[tilespmem:$0x19148] =	vst v63  }
0x3d: {  	s16 =	simm.s32 $0x8E10;
	s20 =	simm.s32 $0x9510  }
0x3e: {  	[tilespmem:s20], [sflag:$0x5] =	stream.indirect.gather [hbm4b:s1+s18], $0x1, s16, s18, $0xb8;
	[tilespmem:$0x19148] =	vst v63  }
0x3f: {  	s16 =	simm.s32 $0x8E90;
	s20 =	simm.s32 $0x9590  }
0x40: {  	[tilespmem:s20], [sflag:$0x5] =	stream.indirect.gather [hbm4b:s1+s18], $0x1, s16, s18, $0xb8;
	[tilespmem:$0x19148] =	vst v63  }
0x41: {  	s16 =	simm.s32 $0x8F10;
	s20 =	simm.s32 $0x9610  }
0x42: {  	[tilespmem:s20], [sflag:$0x5] =	stream.indirect.gather [hbm4b:s1+s18], $0x1, s16, s18, $0xb8;
	[tilespmem:$0x19148] =	vst v63  }
0x43: {  	s16 =	simm.s32 $0x8F90;
	s20 =	simm.s32 $0x9690  }
0x44: {  	[tilespmem:s20], [sflag:$0x5] =	stream.indirect.gather [hbm4b:s1+s18], $0x1, s16, s18, $0xb8;
	[tilespmem:$0x19148] =	vst v63  }
0x45: {  	s16 =	simm.s32 $0x9010;
	s20 =	simm.s32 $0x9710  }
0x46: {  	[tilespmem:s20], [sflag:$0x5] =	stream.indirect.gather [hbm4b:s1+s18], $0x1, s16, s18, $0xb8;
	[tilespmem:$0x19148] =	vst v63  }
0x47: {  	s16 =	simm.s32 $0x9090;
	s20 =	simm.s32 $0x9790  }
0x48: {  	[tilespmem:s20], [sflag:$0x5] =	stream.indirect.gather [hbm4b:s1+s18], $0x1, s16, s18, $0xb8;
	[tilespmem:$0x19148] =	vst v63  }
0x49: {  	s16 =	simm.s32 $0x9110;
	s20 =	simm.s32 $0x9810  }
0x4a: {  	[tilespmem:s20], [sflag:$0x5] =	stream.indirect.gather [hbm4b:s1+s18], $0x1, s16, s18, $0xb8;
	[tilespmem:$0x19148] =	vst v63  }
0x4b: {  	s16 =	simm.s32 $0x9190;
	s20 =	simm.s32 $0x9890  }
0x4c: {  	[tilespmem:s20], [sflag:$0x5] =	stream.indirect.gather [hbm4b:s1+s18], $0x1, s16, s18, $0xb8;
	[tilespmem:$0x19148] =	vst v63  }
0x4d: {  	s20 =	simm.s32 $0x0  }
0x4e: {  	[tilespmem:s20], [sflag:$0x1] =	stream.indirect.gather [spmem:s2], $0x3E8, s14, s19, $0xb8;
	[tilespmem:$0x19148] =	vst v63  }
0x4f: {  	s16 =	simm.s32 $0x7D10  }
0x50: {  	[tilespmem:s21], [sflag:$0x2] =	stream.indirect.gather [spmem:s2], $0x3E8, s16, s19, $0xb8;
	[tilespmem:$0x19148] =	vst v63  }
0x51: {  	_ =	swait.ge [sflag:s22], $0x3E80  }
0x52: {  	[sflag:s22] =	ssyncset.done $0x0  }
0x53: {  	s20 =	sadd.s32 $0x0, s12;
	[sflag:s22] =	ssyncadd.s32 $0xFFFFC180  }
0x54: {  	[hbm4b:s20+s3] =	stream.linear.scatter [tilespmem:s3], [sflag:$0x3], $0x3E80, $0x38;
	[tilespmem:$0x19148] =	vst v63  }
0x55: {  	_ =	swait.ge [sflag:s23], $0x3E80  }
0x56: {  	[sflag:s23] =	ssyncset.done $0x0  }
0x57: {  	s30 =	simm.s32 $0x7D20;
	[sflag:s23] =	ssyncadd.s32 $0xFFFFC180  }
0x58: {  	[tilespmem:s3], [sflag:$0x1] =	stream.indirect.gather [spmem:s2], $0x3E8, s30, s19, $0xb8;
	[tilespmem:$0x19148] =	vst v63  }
0x59: {  	_ =	swait.ge [sflag:s24], $0x3E80  }
0x5a: {  	[sflag:s24] =	ssyncset.done $0x0  }
0x5b: {  	s0 =	sadd.s32 $0x7D0, s20;
	[sflag:s24] =	ssyncadd.s32 $0xFFFFC180  }
0x5c: {  	[hbm4b:s0+s3] =	stream.linear.scatter [tilespmem:s21], [sflag:$0x4], $0x3E80, $0x38;
	[tilespmem:$0x19148] =	vst v63  }
0x5d: {  	_ =	swait.ge [sflag:s25], $0x3E80  }
0x5e: {  	s31 =	simm.s32 $0xFA0;
	[sflag:s25] =	ssyncset.done $0x0  }
0x5f: {  	s30 =	simm.s32 $0x7D30;
	s0 =	simm.s32 $0x7D50;
	[sflag:s25] =	ssyncadd.s32 $0xFFFFC180  }
.LBB2_4:
0x60: {  	[tilespmem:s21], [sflag:$0x2] =	stream.indirect.gather [spmem:s2], $0x3E8, s30, s19, $0xb8;
	[tilespmem:$0x19148] =	vst v63  }
0x61: {  	s16 =	smov.u32 s31;
	s30 =	smov.u32 s0  }
0x62: {  	p1 =	sne.s32 s31, $0x34BC0;
	s31 =	sadd.s32 $0xFA0, s31;
	_ =	swait.ge [sflag:s22], $0x3E80  }
0x63: {  	[sflag:s22] =	ssyncset.done $0x0  }
0x64: {  	s16 =	sadd.s32 s16, s12;
	[sflag:s22] =	ssyncadd.s32 $0xFFFFC180  }
0x65: {  	[hbm4b:s16+s3] =	stream.linear.scatter [tilespmem:s3], [sflag:$0x3], $0x3E80, $0x38;
	[tilespmem:$0x19148] =	vst v63  }
0x66: {  	_ =	swait.ge [sflag:s23], $0x3E80  }
0x67: {  	[sflag:s23] =	ssyncset.done $0x0  }
0x68: {  	s20 =	sadd.s32 $0xFFFFFFF0, s0;
	[sflag:s23] =	ssyncadd.s32 $0xFFFFC180  }
0x69: {  	[tilespmem:s3], [sflag:$0x1] =	stream.indirect.gather [spmem:s2], $0x3E8, s20, s19, $0xb8;
	[tilespmem:$0x19148] =	vst v63  }
0x6a: {  	_ =	swait.ge [sflag:s24], $0x3E80  }
0x6b: {  	[sflag:s24] =	ssyncset.done $0x0  }
.Ltmp1:
0x6c: {  	s16 =	sadd.s32 $0x7D0, s16;
	[sflag:s24] =	ssyncadd.s32 $0xFFFFC180;
	(pc) =	sbr.rel @p1 .LBB2_4-.Ltmp1, $4  }
0x6d: {  	[hbm4b:s16+s3] =	stream.linear.scatter [tilespmem:s21], [sflag:$0x4], $0x3E80, $0x38;
	[tilespmem:$0x19148] =	vst v63  }
0x6e: {  	_ =	swait.ge [sflag:s25], $0x3E80  }
0x6f: {  	[sflag:s25] =	ssyncset.done $0x0  }
0x70: {  	s0 =	sadd.s32 $0x20, s0;
	[sflag:s25] =	ssyncadd.s32 $0xFFFFC180  }
0x71: {  	[tilespmem:s21], [sflag:$0x2] =	stream.indirect.gather [spmem:s2], $0x3E8, s30, s19, $0xb8;
	[tilespmem:$0x19148] =	vst v63  }
0x72: {  	_ =	swait.ge [sflag:s22], $0x3E80  }
0x73: {  	[sflag:s22] =	ssyncset.done $0x0  }
0x74: {  	s30 =	simm.s32 $0x0;
	[sflag:s22] =	ssyncadd.s32 $0xFFFFC180  }
0x75: {  	[hbm4b:s10+s30] =	stream.linear.scatter [tilespmem:s30], [sflag:$0x3], $0x3E80, $0x38;
	[tilespmem:$0x19148] =	vst v63  }
0x76: {  	_ =	swait.ge [sflag:s24], $0x3E80  }
0x77: {  	[sflag:s24] =	ssyncset.done $0x0  }
0x78: {  	[sflag:s24] =	ssyncadd.s32 $0xFFFFC180  }
0x79: {  	[hbm4b:s11+s30] =	stream.linear.scatter [tilespmem:s21], [sflag:$0x4], $0x3E80, $0x38;
	[tilespmem:$0x19148] =	vst v63  }
0x7a: {  	_ =	swait.ge [sflag:s26], $0x80  }
0x7b: {  	[sflag:s26] =	ssyncset.done $0x0  }
0x7c: {  	[sflag:s26] =	ssyncadd.s32 $0xFFFFFF80  }
0x7d: {  	_ =	swait.ge [sflag:s26], $0x80  }
0x7e: {  	[sflag:s26] =	ssyncset.done $0x0  }
0x7f: {  	[sflag:s26] =	ssyncadd.s32 $0xFFFFFF80  }
0x80: {  	_ =	swait.ge [sflag:s26], $0x80  }
0x81: {  	[sflag:s26] =	ssyncset.done $0x0  }
0x82: {  	[sflag:s26] =	ssyncadd.s32 $0xFFFFFF80  }
0x83: {  	_ =	swait.ge [sflag:s26], $0x80  }
0x84: {  	[sflag:s26] =	ssyncset.done $0x0  }
0x85: {  	[sflag:s26] =	ssyncadd.s32 $0xFFFFFF80  }
0x86: {  	_ =	swait.ge [sflag:s26], $0x80  }
0x87: {  	[sflag:s26] =	ssyncset.done $0x0  }
0x88: {  	[sflag:s26] =	ssyncadd.s32 $0xFFFFFF80  }
0x89: {  	_ =	swait.ge [sflag:s26], $0x80  }
0x8a: {  	[sflag:s26] =	ssyncset.done $0x0  }
0x8b: {  	[sflag:s26] =	ssyncadd.s32 $0xFFFFFF80  }
0x8c: {  	_ =	swait.ge [sflag:s26], $0x80  }
0x8d: {  	[sflag:s26] =	ssyncset.done $0x0  }
0x8e: {  	[sflag:s26] =	ssyncadd.s32 $0xFFFFFF80  }
0x8f: {  	_ =	swait.ge [sflag:s26], $0x80  }
0x90: {  	[sflag:s26] =	ssyncset.done $0x0  }
0x91: {  	[sflag:s26] =	ssyncadd.s32 $0xFFFFFF80  }
0x92: {  	_ =	swait.ge [sflag:s26], $0x80  }
0x93: {  	[sflag:s26] =	ssyncset.done $0x0  }
0x94: {  	[sflag:s26] =	ssyncadd.s32 $0xFFFFFF80  }
0x95: {  	_ =	swait.ge [sflag:s26], $0x80  }
0x96: {  	[sflag:s26] =	ssyncset.done $0x0  }
0x97: {  	[sflag:s26] =	ssyncadd.s32 $0xFFFFFF80  }
0x98: {  	_ =	swait.ge [sflag:s26], $0x80  }
0x99: {  	[sflag:s26] =	ssyncset.done $0x0  }
0x9a: {  	[sflag:s26] =	ssyncadd.s32 $0xFFFFFF80  }
0x9b: {  	_ =	swait.ge [sflag:s26], $0x80  }
0x9c: {  	[sflag:s26] =	ssyncset.done $0x0  }
0x9d: {  	[sflag:s26] =	ssyncadd.s32 $0xFFFFFF80  }
0x9e: {  	_ =	swait.ge [sflag:s26], $0x80  }
0x9f: {  	[sflag:s26] =	ssyncset.done $0x0  }
0xa0: {  	[sflag:s26] =	ssyncadd.s32 $0xFFFFFF80  }
0xa1: {  	_ =	swait.ge [sflag:s26], $0x80  }
0xa2: {  	[sflag:s26] =	ssyncset.done $0x0  }
0xa3: {  	[sflag:s26] =	ssyncadd.s32 $0xFFFFFF80  }
.LBB2_6:
0xa4: {  	s0 =	sshra.s32 s30, $0x2  }
0xa5: {  	v1 =	vld [tilespmem:s0+$0x7D00];
	_ =	sdelay $0x6  }
0xa6: {  	v2 =	vld [tilespmem:s0+$0x9210]  }
0xa7: {  	v1 =	vld.idx.msk [tilespmem:v1+s17+$0x0], $0xffff;
	_ =	sdelay $0x1  }
0xa8: {  	v3 =	vld [tilespmem:$0x9D10];
	_ =	sdelay $0x2  }
0xa9: {  	v1 =	vsub.f32 v1, v2;
	_ =	sdelay $0x1  }
0xaa: {  	v1 =	vadd.f32 v1, v3;
	_ =	sdelay $0x1  }
0xab: {  	[tilespmem:$0x9D10] =	vst v1  }
0xac: {  	v2 =	vld [tilespmem:s0+$0x7D10];
	_ =	sdelay $0x6  }
0xad: {  	v3 =	vld [tilespmem:s0+$0x9220]  }
0xae: {  	v2 =	vld.idx.msk [tilespmem:v2+s17+$0x0], $0xffff;
	_ =	sdelay $0x4  }
0xaf: {  	v2 =	vsub.f32 v2, v3;
	_ =	sdelay $0x1  }
0xb0: {  	v1 =	vadd.f32 v2, v1;
	_ =	sdelay $0x1  }
0xb1: {  	[tilespmem:$0x9D10] =	vst v1  }
0xb2: {  	v2 =	vld [tilespmem:s0+$0x7D20];
	_ =	sdelay $0x6  }
0xb3: {  	v3 =	vld [tilespmem:s0+$0x9230]  }
0xb4: {  	v2 =	vld.idx.msk [tilespmem:v2+s17+$0x0], $0xffff;
	_ =	sdelay $0x4  }
0xb5: {  	v2 =	vsub.f32 v2, v3;
	_ =	sdelay $0x1  }
0xb6: {  	v1 =	vadd.f32 v2, v1;
	_ =	sdelay $0x1  }
0xb7: {  	[tilespmem:$0x9D10] =	vst v1  }
0xb8: {  	v2 =	vld [tilespmem:s0+$0x7D30];
	_ =	sdelay $0x6  }
0xb9: {  	v3 =	vld [tilespmem:s0+$0x9240]  }
0xba: {  	v2 =	vld.idx.msk [tilespmem:v2+s17+$0x0], $0x3;
	_ =	sdelay $0x4  }
0xbb: {  	p1 =	sne.s32 s30, $0x1B20;
	v2 =	vsub.f32 v2, v3  }
.Ltmp2:
0xbc: {  	_ = 	snop;
	(pc) =	sbr.rel @p1 .LBB2_6-.Ltmp2, $3  }
0xbd: {  	v2 =	vnsel vm0, $0x0, v2  }
0xbe: {  	v1 =	vadd.f32 v2, v1;
	_ =	sdelay $0x1  }
0xbf: {  	s30 =	sadd.s32 $0xE0, s30;
	[tilespmem:$0x9D10] =	vst v1  }
0xc0: {  	_ =	swait.ge [sflag:s23], $0x3E80  }
0xc1: {  	[sflag:s23] =	ssyncset.done $0x0  }
0xc2: {  	[sflag:s23] =	ssyncadd.s32 $0xFFFFC180  }
0xc3: {  	s29 =	sadd.s32 $0x1, s29;
	_ =	swait.ge [sflag:s25], $0x3E80  }
0xc4: {  	p1 =	sne.s32 s29, s9;
	[sflag:s25] =	ssyncset.done $0x0  }
.Ltmp3:
0xc5: {  	[sflag:s25] =	ssyncadd.s32 $0xFFFFC180;
	(pc) =	sbr.rel @p1 .LBB2_1-.Ltmp3, $4  }
0xc6: {  	[hbm4b:s8+s3] =	stream.linear.scatter [tilespmem:s28], [sflag:$0x6], $0x10, $0x38;
	[tilespmem:$0x19148] =	vst v63  }
0xc7: {  	_ =	swait.ge [sflag:s15], $0x10  }
0xc8: {  	[sflag:s15] =	ssyncset.done $0x0  }
0xc9: {  	[sflag:s15] =	ssyncadd.s32 $0xFFFFFFF0  }
0xca: {  	_ =	sfence.sel $0x180000  }
0xcb: {  	[bflag:$0x0] =	sbarrier.arrive $0xFFFF  }
0xcc: {  	_ =	strace $0x90000047  }
0xcd: {  	[bflag:$0x2] =	sbarrier.arrive $0xFFFF  }
0xce: {  	s0 =	rddreg [dreg:$0x3]  }
0xcf: {  	s0 =	sadd.s32 @!p0 $0x100000, s0  }
0xd0: {  	[sflag:s0] =	ssyncadd.tile.s32 @!p0 $0x1;
	_ =	shalt  }
.Lfunc_end2:
_tile_overlayer_lowered:
.L_overlay_start_2:
0xd1: {  	(tag) =	ssettag $0x2  }
0xd2: {  	s0 =	rddreg [dreg:$0x0];
	s2 =	stileid.u32  }
0xd3: {  	s1 =	rddreg [dreg:$0x1];
	p0 =	sne.s32 s2, $0x0  }
0xd4: {  	s3 =	rddreg [dreg:$0x2];
	[bflag:$0x3] =	sbarrier.arrive $0xFFFF;
	s2 =	simm.s32 @!p0 $0x1C06  }
0xd5: {  	[timem:s3], [sflag:s2] =	dma.local @!p0 [hbm:s0], s1  }
0xd6: {  	s0 =	simm.s32 @!p0 $0x6  }
0xd7: {  	_ =	swait.ge @!p0 [sflag:s0], s1  }
0xd8: {  	s1 =	ssub.s32 @!p0 $0x0, s1;
	[sflag:s0] =	ssyncset.done @!p0 $0x0  }
0xd9: {  	[sflag:s0] =	ssyncadd.s32 @!p0 s1  }
0xda: {  	[bflag:$0x3] =	sbarrier.arrive $0xFFFF  }
0xdb: {  	_ =	shalt  }

// kernel: sparse-core-data-format-call.cloned.1.call-start
scs
called_computation_lowered:
.L_overlay_start_0:
0x0: {  	s2 =	sld [smem:$0x3FD9]  }
0x1: {  	s3 =	sld [smem:$0x3FFE];
	_ =	sdelay $0x1  }
0x2: {  	s1 =	srdreg.scid  }
0x3: {  	s0 =	sand.u32 $0x1, s1  }
0x4: {  	s15 =	sshll.u32 s0, $0xA;
	s2 =	sadd.s32 s3, s2  }
0x5: {  	s2 =	sadd.s32 s2, s15  }
0x6: {  	[smem:$0x3FC5] =	sst s2  }
0x7: {  	_ = 	snop  }
0x8: {  	s2 =	sld [smem:$0x3FD0];
	_ =	sdelay $0x2  }
0x9: {  	s16 =	simm.s32 $0xA;
	s4 =	simm.s32 $0x10  }
0xa: {  	[smem:s4], [sflag:s16] =	dma.local [hbm:s2], $0x1  }
0xb: {  	_ =	swait.eq [sflag:s16], $0x1  }
0xc: {  	[sflag:s16] =	ssyncset.done $0x0  }
0xd: {  	[sflag:s16] =	ssyncadd.s32 $0xFFFFFFFF  }
0xe: {  	s17 =	sld [smem:$0x10];
	(tm) =	ssettm $0x1  }
0xf: {  	s18 =	sld [smem:$0x3FFB];
	_ =	sdelay $0x3  }
0x10: {  	_ =	strace s18  }
0x11: {  	s3 =	sld [smem:$0x3FFC];
	_ =	sdelay $0x3  }
0x12: {  	_ =	strace s3  }
0x13: {  	s3 =	sld [smem:$0x3FFD];
	_ =	sdelay $0x3  }
0x14: {  	_ =	strace s3  }
0x15: {  	_ =	strace $0x8FFFFFFF  }
0x16: {  	s19 =	sld [smem:$0x3FDB];
	_ =	sdelay $0x1  }
0x17: {  	s20 =	simm.s32 $_scs_section_size  }
0x18: {  	s5 =	simm.s32 $_size__tile_overlayer_lowered;
	s6 =	simm.s32 $_tile_overlayer_lowered  }
0x19: {  	s23 =	simm.s32 $0x1BFF;
	s22 =	sshll.u32 s6, $0x1;
	s3 =	sadd.s32 s20, s19  }
0x1a: {  	s7 =	simm.s32 $0x0;
	s21 =	sshll.u32 s5, $0x1;
	s5 =	sadd.s32 s22, s3  }
0x1b: {  	[timem:s7], [sflag:s23] =	dma.local [hbm:s5], s21  }
0x1c: {  	_ =	swait.ge [sflag:s23], s21  }
0x1d: {  	s4 =	ssub.s32 $0x0, s21;
	[sflag:s23] =	ssyncset.done $0x0  }
0x1e: {  	[sflag:s23] =	ssyncadd.s32 s4;
	_ =	sdelay $0x1  }
0x1f: {  	s24 =	simm.s32 $0x1B8B  }
0x20: {  	_ =	swait.ge [sflag:s24], $0x1  }
0x21: {  	[sflag:s24] =	ssyncset.done $0x0  }
0x22: {  	s26 =	simm.s32 $0x1B8E;
	s25 =	sld [smem:$0x3FFE];
	[sflag:s24] =	ssyncadd.s32 $0xFFFFFFFF  }
0x23: {  	s27 =	simm.s32 $execute0_lowered;
	[smem:$0x3FD2] =	sst s26  }
0x24: {  	s5 =	sshll.u32 s27, $0x1;
	_ =	strace $0x80000049;
	[dreg:$0x1] =	wrdreg $0xFFFFFFFF  }
0x25: {  	s28 =	simm.s32 $_size_execute0_lowered;
	s3 =	sadd.s32 s3, s5;
	[dreg:$0x0] =	wrdreg $0x0  }
0x26: {  	s5 =	sshll.u32 s28, $0x1;
	[dreg:$0x2] =	wrdreg s3  }
0x27: {  	[dreg:$0x3] =	wrdreg s5  }
0x28: {  	[dreg:$0x4] =	wrdreg $0xC0  }
0x29: {  	_ =	task [dreg:s7], $0x5FFFF  }
0x2a: {  	[dreg:$0x1] =	wrdreg $0xFFFFFFFF  }
0x2b: {  	[dreg:$0x0] =	wrdreg $0x60  }
0x2c: {  	[dreg:$0x2] =	wrdreg s25  }
0x2d: {  	[dreg:$0x3] =	wrdreg s17  }
0x2e: {  	[dreg:$0x4] =	wrdreg $0x9  }
0x2f: {  	_ =	task.clear_ibuf [dreg:s7], $0x5FFFF;
	_ =	strace $0x90000049  }
0x30: {  	s29 =	simm.s32 $0x9;
	_ =	strace $0x8000004B  }
0x31: {  	_ =	swait.ge [sflag:s29], $0x1  }
0x32: {  	[sflag:s29] =	ssyncadd.s32 $0xFFFFFFFF  }
0x33: {  	_ =	strace $0x9000004B  }
0x34: {  	_ =	sfence  }
0x35: {  	s30 =	sld [smem:$0x0];
	_ =	sdelay $0x2  }
0x36: {  	s31 =	sshll.u32 s1, $0xD;
	s1 =	sshrl.u32 s1, $0x2  }
0x37: {  	s3 =	sand.u32 $0x4000, s31;
	s1 =	sadd.s32 s1, s30  }
0x38: {  	s0 =	sor.u32 s3, s0;
	s1 =	sshll.u32 s1, $0x11  }
0x39: {  	s0 =	sor.u32 s1, s0  }
0x3a: {  	s0 =	sadd.s32 $0x8F2B, s0  }
0x3b: {  	[sflag:s0] =	ssyncadd.remote.s32 $0x1  }
0x3c: {  	_ =	sfence.sel $0xFFFF  }
0x3d: {  	[dreg:$0x0] =	wrdreg $0xFFFFFFFF;
	(pc) =	sbr.abs _section_cstart, $3  }
0x3e: {  	[dreg:$0x1] =	wrdreg $0xFFFFFFFF  }
0x3f: {  	_ =	task.clear_ibuf [dreg:s7], $0x2FFFF;
	_ =	strace $0x9FFFFFFF  }
0x40: {  	(tm) =	ssettm $0x7FFFFFFF  }
0x41: {  	_ =	shalt  }
tec
execute0_lowered:
.L_overlay_start_1:
0x0: {  	(tag) =	ssettag $0x1  }
0x1: {  	s4 =	rddreg [dreg:$0x0]  }
0x2: {  	s0 =	stileid.u32;
	s2 =	rddreg [dreg:$0x1]  }
0x3: {  	s7 =	srdreg.scid;
	s31 =	simm.s32 $0x2;
	s17 =	simm.s32 $0x0  }
0x4: {  	s9 =	simm.s32 $0x2000;
	s19 =	simm.s32 $0x0;
	s18 =	simm.s32 $0x0  }
0x5: {  	s10 =	simm.s32 $0x0;
	s11 =	simm.s32 $0x0;
	s1 =	sshll.u32 s0, $0x7  }
0x6: {  	s12 =	simm.s32 $0x0;
	s14 =	simm.s32 $0x0;
	s3 =	sand.u32 $0x380, s1  }
0x7: {  	s16 =	simm.s32 $0x0;
	s4 =	sadd.s32 $0x6F9600, s4;
	s5 =	ssub.s32 $0x400, s3  }
0x8: {  	s8 =	sshll.u32 s0, $0x4;
	s7 =	sshll.u32 s7, $0x8;
	s6 =	sand.u32 $0x380, s5  }
0x9: {  	s1 =	rddreg [dreg:$0x2];
	p0 =	sne.s32 s6, $0x0;
	s6 =	simm.s32 $0x1  }
.Ltmp0:
0xa: {  	s5 =	sshrl.u32 s5, $0xA;
	s6 =	simm.s32 @!p0 $0x0;
	(pc) =	sbr.rel .LBB1_1-.Ltmp0, $4  }
0xb: {  	_ =	strace $0x8000004A;
	s7 =	sor.u32 s8, s7;
	s6 =	sadd.s32 s6, s5  }
0xc: {  	s7 =	sand.u32 $0x180, s7;
	s5 =	simm.s32 $0x1;
	s6 =	smul.u32 $0x64, s6  }
0xd: {  	s15 =	smov.u32 s3;
	s13 =	smov.u32 s7;
	[sflag:s5] =	ssyncpa.u1 $0x0  }
0xe: {  	p0 =	por $0x0, $0x0;
	[sflag:s31] =	ssyncpa.u1 $0x0;
	s8 =	sor.u32 $0x1, s6  }
.LBB1_4:
0xf: {  	s25 =	sshll.u32 s10, $0xA;
	s24 =	sshra.s32 s24, $0x2;
	s26 =	sshll.u32 s12, $0x3  }
0x10: {  	p1 =	sgt.s32 s11, $0x31;
	s27 =	smov.u32 s11;
	s28 =	sshra.s32 s11, $0x1F  }
0x11: {  	p2 =	sgt.s32 s12, $0x380;
	s31 =	sshra.s32 s12, $0x1F;
	s25 =	sand.u32 $0xFFFFE000, s25  }
0x12: {  	s26 =	sand.u32 $0xFFFFFC00, s26;
	s27 =	simm.s32 @!p1 $0x31;
	s28 =	sand.u32 s28, s11  }
0x13: {  	[tilespmem:s22+$0x2040 ss:$0x81] =	vst.msk $0xffff, v4;
	s23 =	sadd.s32 s24, s23;
	s29 =	sadd.s32 s26, s25;
	s25 =	ssub.s32 s27, s28  }
0x14: {  	[tilespmem:s22+$0x2850 ss:$0x81] =	vst.msk $0xffff, v3;
	s27 =	smov.u32 s12;
	s28 =	smov.u32 s10;
	s26 =	sand.u32 s31, s12  }
0x15: {  	[tilespmem:s22+$0x3060 ss:$0x81] =	vst.msk $0xffff, v2;
	s24 =	sshrl.u32 s29, $0xA;
	s30 =	sadd.s32 $0xFFFFFFCF, s25;
	s27 =	simm.s32 @!p2 $0x380  }
0x16: {  	v5 =	vld [tilespmem:s21+$0xFFFFFFD0];
	[tilespmem:s22+$0x0 ss:$0x81] =	vst.msk $0xffff, v1;
	p2 =	sgt.s32 s10, $0x368;
	s29 =	sshra.s32 s10, $0x1F;
	s22 =	ssub.s32 $0x32, s25  }
0x17: {  	v58 =	vld [tilespmem:s21+$0xFFFFFFE0];
	p1 =	sgt.s32 s30, $0x0;
	s28 =	simm.s32 @!p2 $0x368;
	s29 =	sand.u32 s29, s10  }
0x18: {  	v59 =	vld [tilespmem:s21+$0xFFFFFFF0];
	s26 =	ssub.s32 s27, s26;
	s27 =	smulhi.u32 $0x418938, s24;
	s28 =	ssub.s32 s28, s29  }
0x19: {  	v60 =	vld [tilespmem:s21+$0x0];
	s30 =	sadd.s32 $0xFFFFFC80, s26;
	s25 =	ssub.s32 $0x400, s26;
	s22 =	simm.s32 @p1 $0x0  }
0x1a: {  	v61 =	vld [tilespmem:s21+$0x10];
	[tilespmem:s23+$0x3870 ss:$0x81] =	vst.msk $0xffff, v0;
	s29 =	sand.u32 $0x78, s12;
	p2 =	sgt.s32 s30, $0x7F;
	s31 =	sadd.s32 $0xFFFFFC98, s28  }
0x1b: {  	v62 =	vld [tilespmem:s21+$0x20];
	[tilespmem:s23+$0x810 ss:$0x81] =	vst.msk $0xffff, v5;
	s27 =	smul.u32 $0x3E8, s27;
	s30 =	sshll.u32 s10, $0x7;
	s28 =	ssub.s32 $0x3E8, s28  }
0x1c: {  	v63 =	vld [tilespmem:s21+$0xFFFFFFC0];
	[tilespmem:s23+$0x1020 ss:$0x81] =	vst.msk $0xffff, v58;
	s25 =	simm.s32 @p2 $0x0;
	p1 =	sgt.s32 s31, $0x7F;
	s31 =	smul.u32 $0x1F400, s11  }
0x1d: {  	[tilespmem:s23+$0x1830 ss:$0x81] =	vst.msk $0xffff, v59;
	s21 =	sand.u32 $0x380, s30;
	s22 =	smul.u32 s25, s22;
	s28 =	simm.s32 @p1 $0x0  }
0x1e: {  	[tilespmem:s23+$0x2040 ss:$0x81] =	vst.msk $0xffff, v60;
	s21 =	sor.u32 s29, s21;
	s24 =	ssub.s32 s24, s27;
	s29 =	sand.u32 $0x7, s12  }
0x1f: {  	[tilespmem:s23+$0x2850 ss:$0x81] =	vst.msk $0xffff, v61;
	s21 =	sshrl.u32 s21, $0x3;
	s25 =	sadd.s32 s2, s31;
	s22 =	smul.u32 s28, s22  }
0x20: {  	[tilespmem:s23+$0x3060 ss:$0x81] =	vst.msk $0xffff, v62;
	s24 =	sshll.u32 s24, $0x7;
	s30 =	sshll.u32 s29, $0x12;
	s21 =	sadd.s32 s21, s25  }
0x21: {  	[tilespmem:s23+$0x0 ss:$0x81] =	vst.msk $0xffff, v63;
	s31 =	sor.u32 $0x400, s30;
	s21 =	sadd.s32 s24, s21;
	s22 =	sand.u32 $0x3FFFFFFF, s22  }
0x22: {  	[hbm4b:s21+s31] =	stream.strided.scatter [tilespmem:s20], [sflag:$0x2], s22, s9, s31, $0x20;
	[tilespmem:$0x10100] =	vst v63  }
.LBB1_5:
0x23: {  	p1 =	slt.u32 s16, $0x2  }
0x24: {  	p2 =	sgt.s32 @!p1 s19, $0x31  }
0x25: {  	s20 =	smov.u32 s19;
	s21 =	sshra.s32 @!p1 s19, $0x1F;
	p2 =	por !p2, p1  }
0x26: {  	s19 =	sand.u32 @!p1 s21, s19;
	s20 =	simm.s32 @p2 $0x31  }
0x27: {  	p3 =	sgt.s32 @!p1 s17, $0x368;
	s19 =	ssub.s32 @!p1 s20, s19  }
0x28: {  	p4 =	sgt.s32 @!p1 s18, $0x380;
	s22 =	sshra.s32 @!p1 s18, $0x1F;
	s20 =	sadd.s32 @!p1 $0xFFFFFFCF, s19  }
0x29: {  	s21 =	smov.u32 s17;
	p2 =	sgt.s32 @!p1 s20, $0x0;
	s20 =	sshra.s32 @!p1 s17, $0x1F  }
0x2a: {  	p4 =	por !p4, p1;
	s17 =	sand.u32 @!p1 s20, s17;
	s20 =	smov.u32 s18  }
0x2b: {  	p3 =	por !p3, p1;
	s18 =	sand.u32 @!p1 s22, s18;
	s20 =	simm.s32 @p4 $0x380  }
0x2c: {  	s21 =	simm.s32 @p3 $0x368;
	s19 =	ssub.s32 @!p1 $0x32, s19;
	s18 =	ssub.s32 @!p1 s20, s18  }
0x2d: {  	p2 =	por !p2, p1;
	s17 =	ssub.s32 @!p1 s21, s17;
	s21 =	sadd.s32 @!p1 $0xFFFFFC80, s18  }
0x2e: {  	s19 =	simm.s32 @!p2 $0x0;
	p3 =	sgt.s32 @!p1 s21, $0x7F  }
0x2f: {  	s20 =	sadd.s32 @!p1 $0xFFFFFC98, s17;
	s18 =	ssub.s32 @!p1 $0x400, s18;
	p3 =	por !p3, p1  }
0x30: {  	p2 =	sgt.s32 @!p1 s20, $0x7F;
	s20 =	sadd.s32 $0x200, s13;
	s18 =	simm.s32 @!p3 $0x0  }
0x31: {  	p3 =	sgt.s32 s20, $0x3E7;
	s18 =	smul.u32 @!p1 s18, s19;
	s19 =	simm.s32 $0x1  }
0x32: {  	s17 =	ssub.s32 @!p1 $0x3E8, s17;
	p2 =	por !p2, p1;
	s19 =	simm.s32 @!p3 $0x0  }
0x33: {  	s22 =	smov.u32 s15;
	s17 =	simm.s32 @!p2 $0x0;
	s21 =	sadd.s32 s19, s14  }
0x34: {  	s17 =	smul.u32 @!p1 s17, s18;
	s18 =	sadd.s32 $0x400, s15;
	p2 =	sgt.s32 s21, $0x31  }
0x35: {  	p0 =	por !p0, !p0;
	s23 =	simm.s32 @!p1 $0x2;
	s22 =	smov.u32 @p2 s18  }
0x36: {  	s20 =	smov.u32 @p3 s7;
	s21 =	simm.s32 @p2 $0x0;
	p2 =	sgt.s32 s22, $0x3FF  }
0x37: {  	s19 =	smov.u32 s11;
	s22 =	smov.u32 @p2 s3;
	p2 =	sne.s32 s16, s8  }
.Ltmp1:
0x38: {  	s11 =	smov.u32 s14;
	s17 =	sand.u32 @!p1 $0x3FFFFFFF, s17;
	(pc) =	sbr.rel @!p2 .LBB1_6-.Ltmp1, $4  }
0x39: {  	s18 =	smov.u32 s12;
	s12 =	smov.u32 s15;
	_ =	swait.ge @!p1 [sflag:s23], s17  }
0x3a: {  	s24 =	ssub.s32 @!p1 $0x0, s17;
	s17 =	smov.u32 s10;
	s10 =	smov.u32 s13  }
0x3b: {  	s13 =	smov.u32 s20;
	s14 =	smov.u32 s21;
	[sflag:s23] =	ssyncset.done @!p1 $0x0  }
0x3c: {  	s16 =	sadd.s32 $0x1, s16;
	[sflag:s23] =	ssyncadd.s32 @!p1 s24;
	s15 =	smov.u32 s22  }
.LBB1_1:
0x3d: {  	p1 =	sge.u32 s16, s6  }
0x3e: {  	s20 =	sshll.u32 @!p1 s14, $0xA  }
0x3f: {  	s21 =	sshll.u32 @!p1 s13, $0x3;
	s20 =	sand.u32 @!p1 $0xFFFFE000, s20  }
0x40: {  	s20 =	sadd.s32 @!p1 s20, s21  }
0x41: {  	s20 =	sshrl.u32 @!p1 s20, $0xA  }
0x42: {  	s21 =	smulhi.u32 @!p1 $0x4924925, s20  }
0x43: {  	s22 =	sshll.u32 @!p1 s14, $0x7;
	s24 =	smul.u32 @!p1 $0x1C00, s15  }
0x44: {  	s23 =	sand.u32 @!p1 $0x78, s13;
	s22 =	sand.u32 @!p1 $0x380, s22;
	s21 =	smul.u32 @!p1 $0x38, s21  }
0x45: {  	s31 =	sadd.s32 $0xFFFFFFFF, s16;
	s22 =	sor.u32 @!p1 s23, s22;
	s23 =	sadd.s32 @!p1 s4, s24  }
0x46: {  	s22 =	sshrl.u32 @!p1 s22, $0x3;
	s20 =	ssub.s32 @!p1 s20, s21;
	s21 =	sxor.u32 @!p1 $0xFFFFFFFF, s16  }
0x47: {  	s22 =	sadd.s32 @!p1 s22, s23;
	s23 =	sand.u32 @!p1 $0x7, s13;
	s21 =	sshll.u32 @!p1 s21, $0xE  }
0x48: {  	s23 =	sshll.u32 @!p1 s23, $0x12;
	s20 =	sshll.u32 @!p1 s20, $0x7;
	s21 =	sand.u32 @!p1 $0x4000, s21  }
0x49: {  	s20 =	sadd.s32 @!p1 s20, s22;
	s22 =	sor.u32 @!p1 $0x80, s23;
	s23 =	simm.s32 @!p1 $0xE000  }
0x4a: {  	[tilespmem:s21], [sflag:$0x1] =	stream.strided.gather @!p1 [hbm4b:s20+s22], $0x4000, s23, s22, $0x38;
	[tilespmem:$0x10100] =	vst v63  }
0x4b: {  	p1 =	sge.u32 s31, s6  }
.Ltmp2:
0x4c: {  	_ = 	snop;
	(pc) =	sbr.rel @p1 .LBB1_5-.Ltmp2, $1  }
0x4d: {  	_ =	sdelay $0x3  }
0x4e: {  	s20 =	simm.s32 $0x1  }
0x4f: {  	_ =	swait.ge [sflag:s5], $0x4000;
	s20 =	simm.s32 @!p0 $0x0  }
0x50: {  	[sflag:s5] =	ssyncset.done $0x0;
	s21 =	sshll.u32 s20, $0xE  }
0x51: {  	[sflag:s5] =	ssyncadd.s32 $0xFFFFC000;
	s21 =	sor.u32 $0x40, s21  }
0x52: {  	s20 =	smul.u32 $0x10200, s20;
	v0 =	vld [tilespmem:s21+$0x30]  }
0x53: {  	v1 =	vld [tilespmem:s21+$0xFFFFFFD0]  }
0x54: {  	s20 =	sshrl.u32 s20, $0x2;
	v5 =	vld [tilespmem:s21+$0xFFFFFFE0]  }
0x55: {  	v6 =	vld [tilespmem:s21+$0xFFFFFFF0];
	s23 =	sor.u32 $0x8000, s20  }
0x56: {  	s31 =	sand.u32 $0x1, s16;
	v4 =	vld [tilespmem:s21+$0x0];
	s22 =	sadd.s32 $0x0, s23  }
0x57: {  	v3 =	vld [tilespmem:s21+$0x10];
	s20 =	smul.u32 $0x10200, s31;
	[tilespmem:s22+$0x3870 ss:$0x81] =	vst.msk $0xffff, v0  }
0x58: {  	v2 =	vld [tilespmem:s21+$0x20];
	[tilespmem:s22+$0x810 ss:$0x81] =	vst.msk $0xffff, v1  }
0x59: {  	s20 =	sshrl.u32 s20, $0x2;
	v1 =	vld [tilespmem:s21+$0xFFFFFFC0];
	[tilespmem:s22+$0x1020 ss:$0x81] =	vst.msk $0xffff, v5;
	s21 =	sadd.s32 $0x80, s21  }
0x5a: {  	s24 =	simm.s32 $0x4;
	s25 =	simm.s32 $0x8;
	s20 =	sor.u32 $0x8000, s20;
	[tilespmem:s22+$0x1830 ss:$0x81] =	vst.msk $0xffff, v6;
	v0 =	vld [tilespmem:s21+$0x30]  }
.LBB1_3:
0x5b: {  	p1 =	sne.s32 s25, $0x1FC;
	v5 =	vld [tilespmem:s21+$0xFFFFFFD0];
	[tilespmem:s22+$0x2040 ss:$0x81] =	vst.msk $0xffff, v4  }
0x5c: {  	v6 =	vld [tilespmem:s21+$0xFFFFFFE0];
	[tilespmem:s22+$0x2850 ss:$0x81] =	vst.msk $0xffff, v3  }
0x5d: {  	s26 =	sshra.s32 s24, $0x2;
	s24 =	smov.u32 s25;
	v7 =	vld [tilespmem:s21+$0xFFFFFFF0];
	[tilespmem:s22+$0x3060 ss:$0x81] =	vst.msk $0xffff, v2  }
.Ltmp3:
0x5e: {  	v4 =	vld [tilespmem:s21+$0x0];
	[tilespmem:s22+$0x0 ss:$0x81] =	vst.msk $0xffff, v1;
	s22 =	sadd.s32 s26, s23;
	(pc) =	sbr.rel @p1 .LBB1_3-.Ltmp3, $4  }
0x5f: {  	v3 =	vld [tilespmem:s21+$0x10];
	[tilespmem:s22+$0x3870 ss:$0x81] =	vst.msk $0xffff, v0  }
0x60: {  	[tilespmem:s22+$0x810 ss:$0x81] =	vst.msk $0xffff, v5;
	v2 =	vld [tilespmem:s21+$0x20]  }
0x61: {  	v1 =	vld [tilespmem:s21+$0xFFFFFFC0];
	[tilespmem:s22+$0x1020 ss:$0x81] =	vst.msk $0xffff, v6;
	s21 =	sadd.s32 $0x80, s21  }
0x62: {  	s25 =	sadd.s32 $0x4, s25;
	v0 =	vld [tilespmem:s21+$0x30];
	[tilespmem:s22+$0x1830 ss:$0x81] =	vst.msk $0xffff, v7  }
.Ltmp4:
0x63: {  	_ = 	snop;
	(pc) =	sbr.rel .LBB1_4-.Ltmp4, $1  }
0x64: {  	_ =	sdelay $0x3  }
.LBB1_6:
0x65: {  	_ =	sfence.sel $0x180000  }
0x66: {  	s2 =	simm.s32 $0x1;
	[bflag:$0x0] =	sbarrier.arrive $0xFFFF  }
0x67: {  	s31 =	simm.s32 $0x2;
	[sflag:s2] =	ssyncpa.u1 $0x1  }
0x68: {  	[sflag:s31] =	ssyncpa.u1 $0x1  }
0x69: {  	p0 =	sne.s32 s0, $0x0;
	_ =	strace $0x9000004A  }
0x6a: {  	s0 =	sadd.s32 @!p0 $0x100000, s1;
	[bflag:$0x2] =	sbarrier.arrive $0xFFFF  }
0x6b: {  	[sflag:s0] =	ssyncadd.tile.s32 @!p0 $0x1;
	_ =	shalt  }
.Lfunc_end1:
_tile_overlayer_lowered:
.L_overlay_start_2:
0x6c: {  	(tag) =	ssettag $0x2  }
0x6d: {  	s0 =	rddreg [dreg:$0x0];
	s2 =	stileid.u32  }
0x6e: {  	s1 =	rddreg [dreg:$0x1];
	p0 =	sne.s32 s2, $0x0  }
0x6f: {  	s3 =	rddreg [dreg:$0x2];
	[bflag:$0x3] =	sbarrier.arrive $0xFFFF;
	s2 =	simm.s32 @!p0 $0x1C01  }
0x70: {  	[timem:s3], [sflag:s2] =	dma.local @!p0 [hbm:s0], s1  }
0x71: {  	s0 =	simm.s32 @!p0 $0x1  }
0x72: {  	_ =	swait.ge @!p0 [sflag:s0], s1  }
0x73: {  	s1 =	ssub.s32 @!p0 $0x0, s1;
	[sflag:s0] =	ssyncset.done @!p0 $0x0  }
0x74: {  	[sflag:s0] =	ssyncadd.s32 @!p0 s1  }
0x75: {  	[bflag:$0x3] =	sbarrier.arrive $0xFFFF  }
0x76: {  	_ =	shalt  }

</sc_bundles>
